<compile_context>
chip_gen: v7x
topology: tpu7x:2x2x1
jax: 0.10.2.dev20260603
libtpu: 0.0.44.dev20260713+nightly
codegen_flags: <defaults>
</compile_context>

<pallas_src>
import functools

import jax
import jax.numpy as jnp
from jax import lax
from jax.experimental import pallas as pl
from jax.experimental.pallas import tpu as pltpu
from jax.experimental.pallas import tpu_sc as plsc

_NUM_ROWS = 1000000
_DIM = 64
_BATCH = 16384 * 50
_NUM_WORKERS = 32
_B_PER_W = _BATCH // _NUM_WORKERS
_NBUF = 4
_CHUNK = 320
_NCHUNKS = _B_PER_W // _CHUNK
_NOUTER = _NCHUNKS // _NBUF


@functools.partial(
    pl.kernel,
    mesh=plsc.VectorSubcoreMesh(core_axis_name="c", subcore_axis_name="s"),
    out_type=jax.ShapeDtypeStruct((_BATCH, _DIM), jnp.float32),
    scratch_types=[
        pltpu.VMEM((_B_PER_W,), jnp.int32),
        pltpu.VMEM((_NBUF, _CHUNK, _DIM), jnp.float32),
    ] + [pltpu.SemaphoreType.DMA] * (2 * _NBUF),
    compiler_params=pltpu.CompilerParams(use_tc_tiling_on_sc=False),
)
def _embed_gather(idx_hbm, table_hbm, out_hbm, idx_v, rows_v, *sems):
    gsems = sems[:_NBUF]
    ssems = sems[_NBUF:]
    wid = lax.axis_index("s") * 2 + lax.axis_index("c")
    base = wid * _B_PER_W
    pltpu.sync_copy(idx_hbm.at[pl.ds(base, _B_PER_W)], idx_v)

    def start_gather(chunk, b):
        off = pl.multiple_of(chunk * _CHUNK, 8)
        pltpu.async_copy(
            table_hbm.at[idx_v.at[pl.ds(off, _CHUNK)]], rows_v.at[b], gsems[b]
        )

    def wait_gather(b):
        pltpu.make_async_copy(
            table_hbm.at[pl.ds(0, _CHUNK)], rows_v.at[b], gsems[b]
        ).wait()

    def start_store(chunk, b):
        off = pl.multiple_of(base + chunk * _CHUNK, 8)
        pltpu.async_copy(rows_v.at[b], out_hbm.at[pl.ds(off, _CHUNK)], ssems[b])

    def wait_store(b):
        pltpu.make_async_copy(
            rows_v.at[b], out_hbm.at[pl.ds(0, _CHUNK)], ssems[b]
        ).wait()

    for b in range(_NBUF):
        start_gather(b, b)

    def outer(g, carry):
        cbase = g * _NBUF
        for b in range(_NBUF):
            wait_gather(b)
            start_store(cbase + b, b)
        for b in range(_NBUF):

            @pl.when(g < _NOUTER - 1)
            def _():
                wait_store(b)
                start_gather(cbase + _NBUF + b, b)

        return carry

    lax.fori_loop(0, _NOUTER, outer, 0)
    for b in range(_NBUF):
        wait_store(b)


def kernel(token_ids, weight):
    idx = jnp.reshape(token_ids.astype(jnp.int32), (_BATCH,))
    out = _embed_gather(idx, weight)
    return jnp.reshape(out, (*token_ids.shape, _DIM))

# --- scband reference (transcript-rebuilt; emitter-appended) ---
"""Pipeline reference for scband-embedding-82454782148629 (READ-ONLY COPY).

The authoritative reference and input builder live on the scoring server;
editing this copy changes nothing except your own understanding.
"""

import jax, jax.numpy as jnp
import numpy as np

NUM_EMBEDDINGS = 1000000
EMBEDDING_DIM = 64

def setup_inputs(seed: int = 0) -> dict:
    key = jax.random.key(seed)
    k1, k2 = jax.random.split(key)
    token_ids = jax.random.randint(k1, (16384, 50), 0, NUM_EMBEDDINGS, dtype=jnp.int64) if jax.config.jax_enable_x64 else jax.random.randint(k1, (16384, 50), 0, NUM_EMBEDDINGS, dtype=jnp.int32)
    # truncated-normal-ish init with std=0.02 (clipped normal, faithful to trunc_normal_)
    std = 0.02
    w = jax.random.truncated_normal(k2, -2.0, 2.0, (NUM_EMBEDDINGS, EMBEDDING_DIM), dtype=jnp.float32) * std
    return {"token_ids": token_ids, "weight": w}

def reference(token_ids, weight):
    # Faithful translation of Embedding.forward: weight[token_ids]
    token_ids = token_ids.astype(jnp.int32)
    return jnp.take(weight, token_ids, axis=0)

if __name__ == "__main__":
    import jax
    _d = setup_inputs()
    print(jax.jit(kernel)(*tuple(_d.values())))

</pallas_src>

<mosaic_0001>
#map = affine_map<(d0, d1) -> (0)>
#map1 = affine_map<(d0, d1) -> (0, 0)>
module attributes {stable_mosaic.version = 14 : i64} {
  func.func @_embed_gather(%arg0: i32, %arg1: i32, %arg2: memref<819200xi32, #tpu.memory_space<hbm>>, %arg3: memref<1000000x64xf32, #tpu.memory_space<hbm>>, %arg4: memref<819200x64xf32, #tpu.memory_space<hbm>>, %arg5: memref<25600xi32, #tpu.memory_space<vmem>>, %arg6: memref<4x320x64xf32, #tpu.memory_space<vmem>>, %arg7: memref<!tpu.dma_semaphore, #tpu.memory_space<semaphore_mem>>, %arg8: memref<!tpu.dma_semaphore, #tpu.memory_space<semaphore_mem>>, %arg9: memref<!tpu.dma_semaphore, #tpu.memory_space<semaphore_mem>>, %arg10: memref<!tpu.dma_semaphore, #tpu.memory_space<semaphore_mem>>, %arg11: memref<!tpu.dma_semaphore, #tpu.memory_space<semaphore_mem>>, %arg12: memref<!tpu.dma_semaphore, #tpu.memory_space<semaphore_mem>>, %arg13: memref<!tpu.dma_semaphore, #tpu.memory_space<semaphore_mem>>, %arg14: memref<!tpu.dma_semaphore, #tpu.memory_space<semaphore_mem>>) attributes {dimension_semantics = [#tpu.dimension_semantics<core_parallel>, #tpu.dimension_semantics<subcore_parallel>], iteration_bounds = array<i64: 2, 16>, scalar_prefetch = 0 : i64, scratch_operands = 10 : i64, tpu.core_type = #tpu.core_type<sc_vector_subcore>, window_params = [{transform_indices = #map}, {transform_indices = #map1}, {transform_indices = #map1}]} {
    %mul3A = arith.constant 2 : i32
    %mul3A_0 = arith.muli %arg1, %mul3A : i32
    %add3A = arith.addi %mul3A_0, %arg0 : i32
    %mul3A_1 = arith.constant 25600 : i32
    %mul3A_2 = arith.muli %add3A, %mul3A_1 : i32
    "tpu.region"() ({
      %run_scoped3A = tpu.sem_alloc : memref<!tpu.dma_semaphore, #tpu.memory_space<semaphore_mem>>
      %dma_start3A_109 = tpu.memref_slice %arg2[%mul3A_2] : memref<819200xi32, #tpu.memory_space<hbm>> -> memref<25600xi32, #tpu.memory_space<hbm>>
      %dma_start3A_110 = tpu.memref_slice %arg2[%mul3A_2] : memref<819200xi32, #tpu.memory_space<hbm>> -> memref<25600xi32, #tpu.memory_space<hbm>>
      tpu.enqueue_dma source(%dma_start3A_110 : memref<25600xi32, #tpu.memory_space<hbm>>) target(%arg5 : memref<25600xi32, #tpu.memory_space<vmem>>) target_semaphore(%run_scoped3A : memref<!tpu.dma_semaphore, #tpu.memory_space<semaphore_mem>>)
      %dma_wait3A_111 = tpu.memref_slice %arg2[%mul3A_2] : memref<819200xi32, #tpu.memory_space<hbm>> -> memref<25600xi32, #tpu.memory_space<hbm>>
      %dma_wait3A_112 = tpu.memref_slice %arg2[%mul3A_2] : memref<819200xi32, #tpu.memory_space<hbm>> -> memref<25600xi32, #tpu.memory_space<hbm>>
      tpu.wait_dma2 semaphore(%run_scoped3A : memref<!tpu.dma_semaphore, #tpu.memory_space<semaphore_mem>>) src(%dma_wait3A_112 : memref<25600xi32, #tpu.memory_space<hbm>>) dst(%arg5 : memref<25600xi32, #tpu.memory_space<vmem>>)
      tpu.yield
    }) : () -> ()
    %multiple_of3A = arith.constant 0 : i32
    %multiple_of3A_3 = tpu.assume_multiple %multiple_of3A, 8 : i32
    %dma_start3A = arith.constant 0 : i32
    %dma_start3A_4 = arith.constant 0 : i32
    %dma_start3A_5 = arith.constant 0 : i32
    %dma_start3A_6 = tpu.memref_slice %arg6[%dma_start3A, %dma_start3A_4, %dma_start3A_5] : memref<4x320x64xf32, #tpu.memory_space<vmem>> -> memref<1x320x64xf32, #tpu.memory_space<vmem>>
    %dma_start3A_7 = tpu.memref_squeeze %dma_start3A_6 : memref<1x320x64xf32, #tpu.memory_space<vmem>> -> memref<320x64xf32, #tpu.memory_space<vmem>>
    %dma_start3A_8 = tpu.memref_slice %arg5[%multiple_of3A_3] : memref<25600xi32, #tpu.memory_space<vmem>> -> memref<320xi32, #tpu.memory_space<vmem>>
    %dma_start3A_9 = arith.constant 0 : i32
    %dma_start3A_10 = arith.constant 0 : i32
    %dma_start3A_11 = tpu.memref_slice %arg3[%dma_start3A_9, %dma_start3A_10] : memref<1000000x64xf32, #tpu.memory_space<hbm>> -> memref<1000000x64xf32, #tpu.memory_space<hbm>>
    tpu.enqueue_indirect_dma source(%dma_start3A_11 : memref<1000000x64xf32, #tpu.memory_space<hbm>>) target(%dma_start3A_7 : memref<320x64xf32, #tpu.memory_space<vmem>>) offsets(%dma_start3A_8 : memref<320xi32, #tpu.memory_space<vmem>>) semaphore(%arg7 : memref<!tpu.dma_semaphore, #tpu.memory_space<semaphore_mem>>)
    %multiple_of3A_12 = arith.constant 320 : i32
    %multiple_of3A_13 = tpu.assume_multiple %multiple_of3A_12, 8 : i32
    %dma_start3A_14 = arith.constant 1 : i32
    %dma_start3A_15 = arith.constant 0 : i32
    %dma_start3A_16 = arith.constant 0 : i32
    %dma_start3A_17 = tpu.memref_slice %arg6[%dma_start3A_14, %dma_start3A_15, %dma_start3A_16] : memref<4x320x64xf32, #tpu.memory_space<vmem>> -> memref<1x320x64xf32, #tpu.memory_space<vmem>>
    %dma_start3A_18 = tpu.memref_squeeze %dma_start3A_17 : memref<1x320x64xf32, #tpu.memory_space<vmem>> -> memref<320x64xf32, #tpu.memory_space<vmem>>
    %dma_start3A_19 = tpu.memref_slice %arg5[%multiple_of3A_13] : memref<25600xi32, #tpu.memory_space<vmem>> -> memref<320xi32, #tpu.memory_space<vmem>>
    %dma_start3A_20 = arith.constant 0 : i32
    %dma_start3A_21 = arith.constant 0 : i32
    %dma_start3A_22 = tpu.memref_slice %arg3[%dma_start3A_20, %dma_start3A_21] : memref<1000000x64xf32, #tpu.memory_space<hbm>> -> memref<1000000x64xf32, #tpu.memory_space<hbm>>
    tpu.enqueue_indirect_dma source(%dma_start3A_22 : memref<1000000x64xf32, #tpu.memory_space<hbm>>) target(%dma_start3A_18 : memref<320x64xf32, #tpu.memory_space<vmem>>) offsets(%dma_start3A_19 : memref<320xi32, #tpu.memory_space<vmem>>) semaphore(%arg8 : memref<!tpu.dma_semaphore, #tpu.memory_space<semaphore_mem>>)
    %multiple_of3A_23 = arith.constant 640 : i32
    %multiple_of3A_24 = tpu.assume_multiple %multiple_of3A_23, 8 : i32
    %dma_start3A_25 = arith.constant 2 : i32
    %dma_start3A_26 = arith.constant 0 : i32
    %dma_start3A_27 = arith.constant 0 : i32
    %dma_start3A_28 = tpu.memref_slice %arg6[%dma_start3A_25, %dma_start3A_26, %dma_start3A_27] : memref<4x320x64xf32, #tpu.memory_space<vmem>> -> memref<1x320x64xf32, #tpu.memory_space<vmem>>
    %dma_start3A_29 = tpu.memref_squeeze %dma_start3A_28 : memref<1x320x64xf32, #tpu.memory_space<vmem>> -> memref<320x64xf32, #tpu.memory_space<vmem>>
    %dma_start3A_30 = tpu.memref_slice %arg5[%multiple_of3A_24] : memref<25600xi32, #tpu.memory_space<vmem>> -> memref<320xi32, #tpu.memory_space<vmem>>
    %dma_start3A_31 = arith.constant 0 : i32
    %dma_start3A_32 = arith.constant 0 : i32
    %dma_start3A_33 = tpu.memref_slice %arg3[%dma_start3A_31, %dma_start3A_32] : memref<1000000x64xf32, #tpu.memory_space<hbm>> -> memref<1000000x64xf32, #tpu.memory_space<hbm>>
    tpu.enqueue_indirect_dma source(%dma_start3A_33 : memref<1000000x64xf32, #tpu.memory_space<hbm>>) target(%dma_start3A_29 : memref<320x64xf32, #tpu.memory_space<vmem>>) offsets(%dma_start3A_30 : memref<320xi32, #tpu.memory_space<vmem>>) semaphore(%arg9 : memref<!tpu.dma_semaphore, #tpu.memory_space<semaphore_mem>>)
    %multiple_of3A_34 = arith.constant 960 : i32
    %multiple_of3A_35 = tpu.assume_multiple %multiple_of3A_34, 8 : i32
    %dma_start3A_36 = arith.constant 3 : i32
    %dma_start3A_37 = arith.constant 0 : i32
    %dma_start3A_38 = arith.constant 0 : i32
    %dma_start3A_39 = tpu.memref_slice %arg6[%dma_start3A_36, %dma_start3A_37, %dma_start3A_38] : memref<4x320x64xf32, #tpu.memory_space<vmem>> -> memref<1x320x64xf32, #tpu.memory_space<vmem>>
    %dma_start3A_40 = tpu.memref_squeeze %dma_start3A_39 : memref<1x320x64xf32, #tpu.memory_space<vmem>> -> memref<320x64xf32, #tpu.memory_space<vmem>>
    %dma_start3A_41 = tpu.memref_slice %arg5[%multiple_of3A_35] : memref<25600xi32, #tpu.memory_space<vmem>> -> memref<320xi32, #tpu.memory_space<vmem>>
    %dma_start3A_42 = arith.constant 0 : i32
    %dma_start3A_43 = arith.constant 0 : i32
    %dma_start3A_44 = tpu.memref_slice %arg3[%dma_start3A_42, %dma_start3A_43] : memref<1000000x64xf32, #tpu.memory_space<hbm>> -> memref<1000000x64xf32, #tpu.memory_space<hbm>>
    tpu.enqueue_indirect_dma source(%dma_start3A_44 : memref<1000000x64xf32, #tpu.memory_space<hbm>>) target(%dma_start3A_40 : memref<320x64xf32, #tpu.memory_space<vmem>>) offsets(%dma_start3A_41 : memref<320xi32, #tpu.memory_space<vmem>>) semaphore(%arg10 : memref<!tpu.dma_semaphore, #tpu.memory_space<semaphore_mem>>)
    %scan3A = arith.constant 0 : i32
    %scan3A_45 = arith.constant 0 : i32
    %scan3A_46 = arith.constant 20 : i32
    %scan3A_47 = arith.addi %scan3A_45, %scan3A_46 : i32
    %scan3A_48 = arith.constant 1 : i32
    scf.for %scan3A_109 = %scan3A_45 to %scan3A_47 step %scan3A_48  : i32 {
      %mul3A_110 = arith.constant 4 : i32
      %mul3A_111 = arith.muli %scan3A_109, %mul3A_110 : i32
      %dma_wait3A_112 = arith.constant 0 : i32
      %dma_wait3A_113 = arith.constant 0 : i32
      %dma_wait3A_114 = arith.constant 0 : i32
      %dma_wait3A_115 = tpu.memref_slice %arg6[%dma_wait3A_112, %dma_wait3A_113, %dma_wait3A_114] : memref<4x320x64xf32, #tpu.memory_space<vmem>> -> memref<1x320x64xf32, #tpu.memory_space<vmem>>
      %dma_wait3A_116 = tpu.memref_squeeze %dma_wait3A_115 : memref<1x320x64xf32, #tpu.memory_space<vmem>> -> memref<320x64xf32, #tpu.memory_space<vmem>>
      %dma_wait3A_117 = arith.constant 0 : i32
      %dma_wait3A_118 = arith.constant 0 : i32
      %dma_wait3A_119 = tpu.memref_slice %arg3[%dma_wait3A_117, %dma_wait3A_118] : memref<1000000x64xf32, #tpu.memory_space<hbm>> -> memref<320x64xf32, #tpu.memory_space<hbm>>
      %dma_wait3A_120 = arith.constant 0 : i32
      %dma_wait3A_121 = arith.constant 0 : i32
      %dma_wait3A_122 = tpu.memref_slice %arg6[%dma_wait3A_112, %dma_wait3A_120, %dma_wait3A_121] : memref<4x320x64xf32, #tpu.memory_space<vmem>> -> memref<1x320x64xf32, #tpu.memory_space<vmem>>
      %dma_wait3A_123 = tpu.memref_squeeze %dma_wait3A_122 : memref<1x320x64xf32, #tpu.memory_space<vmem>> -> memref<320x64xf32, #tpu.memory_space<vmem>>
      %dma_wait3A_124 = arith.constant 0 : i32
      %dma_wait3A_125 = arith.constant 0 : i32
      %dma_wait3A_126 = tpu.memref_slice %arg3[%dma_wait3A_124, %dma_wait3A_125] : memref<1000000x64xf32, #tpu.memory_space<hbm>> -> memref<320x64xf32, #tpu.memory_space<hbm>>
      tpu.wait_dma2 semaphore(%arg7 : memref<!tpu.dma_semaphore, #tpu.memory_space<semaphore_mem>>) src(%dma_wait3A_126 : memref<320x64xf32, #tpu.memory_space<hbm>>) dst(%dma_wait3A_123 : memref<320x64xf32, #tpu.memory_space<vmem>>)
      %add3A_127 = arith.constant 0 : i32
      %add3A_128 = arith.addi %mul3A_111, %add3A_127 : i32
      %mul3A_129 = arith.constant 320 : i32
      %mul3A_130 = arith.muli %add3A_128, %mul3A_129 : i32
      %add3A_131 = arith.addi %mul3A_2, %mul3A_130 : i32
      %multiple_of3A_132 = tpu.assume_multiple %add3A_131, 8 : i32
      %dma_start3A_133 = arith.constant 0 : i32
      %dma_start3A_134 = arith.constant 0 : i32
      %dma_start3A_135 = arith.constant 0 : i32
      %dma_start3A_136 = tpu.memref_slice %arg6[%dma_start3A_133, %dma_start3A_134, %dma_start3A_135] : memref<4x320x64xf32, #tpu.memory_space<vmem>> -> memref<1x320x64xf32, #tpu.memory_space<vmem>>
      %dma_start3A_137 = tpu.memref_squeeze %dma_start3A_136 : memref<1x320x64xf32, #tpu.memory_space<vmem>> -> memref<320x64xf32, #tpu.memory_space<vmem>>
      %dma_start3A_138 = arith.constant 0 : i32
      %dma_start3A_139 = tpu.memref_slice %arg4[%multiple_of3A_132, %dma_start3A_138] : memref<819200x64xf32, #tpu.memory_space<hbm>> -> memref<320x64xf32, #tpu.memory_space<hbm>>
      %dma_start3A_140 = arith.constant 0 : i32
      %dma_start3A_141 = tpu.memref_slice %arg4[%multiple_of3A_132, %dma_start3A_140] : memref<819200x64xf32, #tpu.memory_space<hbm>> -> memref<320x64xf32, #tpu.memory_space<hbm>>
      %dma_start3A_142 = arith.constant 0 : i32
      %dma_start3A_143 = arith.constant 0 : i32
      %dma_start3A_144 = tpu.memref_slice %arg6[%dma_start3A_133, %dma_start3A_142, %dma_start3A_143] : memref<4x320x64xf32, #tpu.memory_space<vmem>> -> memref<1x320x64xf32, #tpu.memory_space<vmem>>
      %dma_start3A_145 = tpu.memref_squeeze %dma_start3A_144 : memref<1x320x64xf32, #tpu.memory_space<vmem>> -> memref<320x64xf32, #tpu.memory_space<vmem>>
      tpu.enqueue_dma source(%dma_start3A_145 : memref<320x64xf32, #tpu.memory_space<vmem>>) target(%dma_start3A_141 : memref<320x64xf32, #tpu.memory_space<hbm>>) target_semaphore(%arg11 : memref<!tpu.dma_semaphore, #tpu.memory_space<semaphore_mem>>)
      %dma_wait3A_146 = arith.constant 1 : i32
      %dma_wait3A_147 = arith.constant 0 : i32
      %dma_wait3A_148 = arith.constant 0 : i32
      %dma_wait3A_149 = tpu.memref_slice %arg6[%dma_wait3A_146, %dma_wait3A_147, %dma_wait3A_148] : memref<4x320x64xf32, #tpu.memory_space<vmem>> -> memref<1x320x64xf32, #tpu.memory_space<vmem>>
      %dma_wait3A_150 = tpu.memref_squeeze %dma_wait3A_149 : memref<1x320x64xf32, #tpu.memory_space<vmem>> -> memref<320x64xf32, #tpu.memory_space<vmem>>
      %dma_wait3A_151 = arith.constant 0 : i32
      %dma_wait3A_152 = arith.constant 0 : i32
      %dma_wait3A_153 = tpu.memref_slice %arg3[%dma_wait3A_151, %dma_wait3A_152] : memref<1000000x64xf32, #tpu.memory_space<hbm>> -> memref<320x64xf32, #tpu.memory_space<hbm>>
      %dma_wait3A_154 = arith.constant 0 : i32
      %dma_wait3A_155 = arith.constant 0 : i32
      %dma_wait3A_156 = tpu.memref_slice %arg6[%dma_wait3A_146, %dma_wait3A_154, %dma_wait3A_155] : memref<4x320x64xf32, #tpu.memory_space<vmem>> -> memref<1x320x64xf32, #tpu.memory_space<vmem>>
      %dma_wait3A_157 = tpu.memref_squeeze %dma_wait3A_156 : memref<1x320x64xf32, #tpu.memory_space<vmem>> -> memref<320x64xf32, #tpu.memory_space<vmem>>
      %dma_wait3A_158 = arith.constant 0 : i32
      %dma_wait3A_159 = arith.constant 0 : i32
      %dma_wait3A_160 = tpu.memref_slice %arg3[%dma_wait3A_158, %dma_wait3A_159] : memref<1000000x64xf32, #tpu.memory_space<hbm>> -> memref<320x64xf32, #tpu.memory_space<hbm>>
      tpu.wait_dma2 semaphore(%arg8 : memref<!tpu.dma_semaphore, #tpu.memory_space<semaphore_mem>>) src(%dma_wait3A_160 : memref<320x64xf32, #tpu.memory_space<hbm>>) dst(%dma_wait3A_157 : memref<320x64xf32, #tpu.memory_space<vmem>>)
      %add3A_161 = arith.constant 1 : i32
      %add3A_162 = arith.addi %mul3A_111, %add3A_161 : i32
      %mul3A_163 = arith.constant 320 : i32
      %mul3A_164 = arith.muli %add3A_162, %mul3A_163 : i32
      %add3A_165 = arith.addi %mul3A_2, %mul3A_164 : i32
      %multiple_of3A_166 = tpu.assume_multiple %add3A_165, 8 : i32
      %dma_start3A_167 = arith.constant 1 : i32
      %dma_start3A_168 = arith.constant 0 : i32
      %dma_start3A_169 = arith.constant 0 : i32
      %dma_start3A_170 = tpu.memref_slice %arg6[%dma_start3A_167, %dma_start3A_168, %dma_start3A_169] : memref<4x320x64xf32, #tpu.memory_space<vmem>> -> memref<1x320x64xf32, #tpu.memory_space<vmem>>
      %dma_start3A_171 = tpu.memref_squeeze %dma_start3A_170 : memref<1x320x64xf32, #tpu.memory_space<vmem>> -> memref<320x64xf32, #tpu.memory_space<vmem>>
      %dma_start3A_172 = arith.constant 0 : i32
      %dma_start3A_173 = tpu.memref_slice %arg4[%multiple_of3A_166, %dma_start3A_172] : memref<819200x64xf32, #tpu.memory_space<hbm>> -> memref<320x64xf32, #tpu.memory_space<hbm>>
      %dma_start3A_174 = arith.constant 0 : i32
      %dma_start3A_175 = tpu.memref_slice %arg4[%multiple_of3A_166, %dma_start3A_174] : memref<819200x64xf32, #tpu.memory_space<hbm>> -> memref<320x64xf32, #tpu.memory_space<hbm>>
      %dma_start3A_176 = arith.constant 0 : i32
      %dma_start3A_177 = arith.constant 0 : i32
      %dma_start3A_178 = tpu.memref_slice %arg6[%dma_start3A_167, %dma_start3A_176, %dma_start3A_177] : memref<4x320x64xf32, #tpu.memory_space<vmem>> -> memref<1x320x64xf32, #tpu.memory_space<vmem>>
      %dma_start3A_179 = tpu.memref_squeeze %dma_start3A_178 : memref<1x320x64xf32, #tpu.memory_space<vmem>> -> memref<320x64xf32, #tpu.memory_space<vmem>>
      tpu.enqueue_dma source(%dma_start3A_179 : memref<320x64xf32, #tpu.memory_space<vmem>>) target(%dma_start3A_175 : memref<320x64xf32, #tpu.memory_space<hbm>>) target_semaphore(%arg12 : memref<!tpu.dma_semaphore, #tpu.memory_space<semaphore_mem>>)
      %dma_wait3A_180 = arith.constant 2 : i32
      %dma_wait3A_181 = arith.constant 0 : i32
      %dma_wait3A_182 = arith.constant 0 : i32
      %dma_wait3A_183 = tpu.memref_slice %arg6[%dma_wait3A_180, %dma_wait3A_181, %dma_wait3A_182] : memref<4x320x64xf32, #tpu.memory_space<vmem>> -> memref<1x320x64xf32, #tpu.memory_space<vmem>>
      %dma_wait3A_184 = tpu.memref_squeeze %dma_wait3A_183 : memref<1x320x64xf32, #tpu.memory_space<vmem>> -> memref<320x64xf32, #tpu.memory_space<vmem>>
      %dma_wait3A_185 = arith.constant 0 : i32
      %dma_wait3A_186 = arith.constant 0 : i32
      %dma_wait3A_187 = tpu.memref_slice %arg3[%dma_wait3A_185, %dma_wait3A_186] : memref<1000000x64xf32, #tpu.memory_space<hbm>> -> memref<320x64xf32, #tpu.memory_space<hbm>>
      %dma_wait3A_188 = arith.constant 0 : i32
      %dma_wait3A_189 = arith.constant 0 : i32
      %dma_wait3A_190 = tpu.memref_slice %arg6[%dma_wait3A_180, %dma_wait3A_188, %dma_wait3A_189] : memref<4x320x64xf32, #tpu.memory_space<vmem>> -> memref<1x320x64xf32, #tpu.memory_space<vmem>>
      %dma_wait3A_191 = tpu.memref_squeeze %dma_wait3A_190 : memref<1x320x64xf32, #tpu.memory_space<vmem>> -> memref<320x64xf32, #tpu.memory_space<vmem>>
      %dma_wait3A_192 = arith.constant 0 : i32
      %dma_wait3A_193 = arith.constant 0 : i32
      %dma_wait3A_194 = tpu.memref_slice %arg3[%dma_wait3A_192, %dma_wait3A_193] : memref<1000000x64xf32, #tpu.memory_space<hbm>> -> memref<320x64xf32, #tpu.memory_space<hbm>>
      tpu.wait_dma2 semaphore(%arg9 : memref<!tpu.dma_semaphore, #tpu.memory_space<semaphore_mem>>) src(%dma_wait3A_194 : memref<320x64xf32, #tpu.memory_space<hbm>>) dst(%dma_wait3A_191 : memref<320x64xf32, #tpu.memory_space<vmem>>)
      %add3A_195 = arith.constant 2 : i32
      %add3A_196 = arith.addi %mul3A_111, %add3A_195 : i32
      %mul3A_197 = arith.constant 320 : i32
      %mul3A_198 = arith.muli %add3A_196, %mul3A_197 : i32
      %add3A_199 = arith.addi %mul3A_2, %mul3A_198 : i32
      %multiple_of3A_200 = tpu.assume_multiple %add3A_199, 8 : i32
      %dma_start3A_201 = arith.constant 2 : i32
      %dma_start3A_202 = arith.constant 0 : i32
      %dma_start3A_203 = arith.constant 0 : i32
      %dma_start3A_204 = tpu.memref_slice %arg6[%dma_start3A_201, %dma_start3A_202, %dma_start3A_203] : memref<4x320x64xf32, #tpu.memory_space<vmem>> -> memref<1x320x64xf32, #tpu.memory_space<vmem>>
      %dma_start3A_205 = tpu.memref_squeeze %dma_start3A_204 : memref<1x320x64xf32, #tpu.memory_space<vmem>> -> memref<320x64xf32, #tpu.memory_space<vmem>>
      %dma_start3A_206 = arith.constant 0 : i32
      %dma_start3A_207 = tpu.memref_slice %arg4[%multiple_of3A_200, %dma_start3A_206] : memref<819200x64xf32, #tpu.memory_space<hbm>> -> memref<320x64xf32, #tpu.memory_space<hbm>>
      %dma_start3A_208 = arith.constant 0 : i32
      %dma_start3A_209 = tpu.memref_slice %arg4[%multiple_of3A_200, %dma_start3A_208] : memref<819200x64xf32, #tpu.memory_space<hbm>> -> memref<320x64xf32, #tpu.memory_space<hbm>>
      %dma_start3A_210 = arith.constant 0 : i32
      %dma_start3A_211 = arith.constant 0 : i32
      %dma_start3A_212 = tpu.memref_slice %arg6[%dma_start3A_201, %dma_start3A_210, %dma_start3A_211] : memref<4x320x64xf32, #tpu.memory_space<vmem>> -> memref<1x320x64xf32, #tpu.memory_space<vmem>>
      %dma_start3A_213 = tpu.memref_squeeze %dma_start3A_212 : memref<1x320x64xf32, #tpu.memory_space<vmem>> -> memref<320x64xf32, #tpu.memory_space<vmem>>
      tpu.enqueue_dma source(%dma_start3A_213 : memref<320x64xf32, #tpu.memory_space<vmem>>) target(%dma_start3A_209 : memref<320x64xf32, #tpu.memory_space<hbm>>) target_semaphore(%arg13 : memref<!tpu.dma_semaphore, #tpu.memory_space<semaphore_mem>>)
      %dma_wait3A_214 = arith.constant 3 : i32
      %dma_wait3A_215 = arith.constant 0 : i32
      %dma_wait3A_216 = arith.constant 0 : i32
      %dma_wait3A_217 = tpu.memref_slice %arg6[%dma_wait3A_214, %dma_wait3A_215, %dma_wait3A_216] : memref<4x320x64xf32, #tpu.memory_space<vmem>> -> memref<1x320x64xf32, #tpu.memory_space<vmem>>
      %dma_wait3A_218 = tpu.memref_squeeze %dma_wait3A_217 : memref<1x320x64xf32, #tpu.memory_space<vmem>> -> memref<320x64xf32, #tpu.memory_space<vmem>>
      %dma_wait3A_219 = arith.constant 0 : i32
      %dma_wait3A_220 = arith.constant 0 : i32
      %dma_wait3A_221 = tpu.memref_slice %arg3[%dma_wait3A_219, %dma_wait3A_220] : memref<1000000x64xf32, #tpu.memory_space<hbm>> -> memref<320x64xf32, #tpu.memory_space<hbm>>
      %dma_wait3A_222 = arith.constant 0 : i32
      %dma_wait3A_223 = arith.constant 0 : i32
      %dma_wait3A_224 = tpu.memref_slice %arg6[%dma_wait3A_214, %dma_wait3A_222, %dma_wait3A_223] : memref<4x320x64xf32, #tpu.memory_space<vmem>> -> memref<1x320x64xf32, #tpu.memory_space<vmem>>
      %dma_wait3A_225 = tpu.memref_squeeze %dma_wait3A_224 : memref<1x320x64xf32, #tpu.memory_space<vmem>> -> memref<320x64xf32, #tpu.memory_space<vmem>>
      %dma_wait3A_226 = arith.constant 0 : i32
      %dma_wait3A_227 = arith.constant 0 : i32
      %dma_wait3A_228 = tpu.memref_slice %arg3[%dma_wait3A_226, %dma_wait3A_227] : memref<1000000x64xf32, #tpu.memory_space<hbm>> -> memref<320x64xf32, #tpu.memory_space<hbm>>
      tpu.wait_dma2 semaphore(%arg10 : memref<!tpu.dma_semaphore, #tpu.memory_space<semaphore_mem>>) src(%dma_wait3A_228 : memref<320x64xf32, #tpu.memory_space<hbm>>) dst(%dma_wait3A_225 : memref<320x64xf32, #tpu.memory_space<vmem>>)
      %add3A_229 = arith.constant 3 : i32
      %add3A_230 = arith.addi %mul3A_111, %add3A_229 : i32
      %mul3A_231 = arith.constant 320 : i32
      %mul3A_232 = arith.muli %add3A_230, %mul3A_231 : i32
      %add3A_233 = arith.addi %mul3A_2, %mul3A_232 : i32
      %multiple_of3A_234 = tpu.assume_multiple %add3A_233, 8 : i32
      %dma_start3A_235 = arith.constant 3 : i32
      %dma_start3A_236 = arith.constant 0 : i32
      %dma_start3A_237 = arith.constant 0 : i32
      %dma_start3A_238 = tpu.memref_slice %arg6[%dma_start3A_235, %dma_start3A_236, %dma_start3A_237] : memref<4x320x64xf32, #tpu.memory_space<vmem>> -> memref<1x320x64xf32, #tpu.memory_space<vmem>>
      %dma_start3A_239 = tpu.memref_squeeze %dma_start3A_238 : memref<1x320x64xf32, #tpu.memory_space<vmem>> -> memref<320x64xf32, #tpu.memory_space<vmem>>
      %dma_start3A_240 = arith.constant 0 : i32
      %dma_start3A_241 = tpu.memref_slice %arg4[%multiple_of3A_234, %dma_start3A_240] : memref<819200x64xf32, #tpu.memory_space<hbm>> -> memref<320x64xf32, #tpu.memory_space<hbm>>
      %dma_start3A_242 = arith.constant 0 : i32
      %dma_start3A_243 = tpu.memref_slice %arg4[%multiple_of3A_234, %dma_start3A_242] : memref<819200x64xf32, #tpu.memory_space<hbm>> -> memref<320x64xf32, #tpu.memory_space<hbm>>
      %dma_start3A_244 = arith.constant 0 : i32
      %dma_start3A_245 = arith.constant 0 : i32
      %dma_start3A_246 = tpu.memref_slice %arg6[%dma_start3A_235, %dma_start3A_244, %dma_start3A_245] : memref<4x320x64xf32, #tpu.memory_space<vmem>> -> memref<1x320x64xf32, #tpu.memory_space<vmem>>
      %dma_start3A_247 = tpu.memref_squeeze %dma_start3A_246 : memref<1x320x64xf32, #tpu.memory_space<vmem>> -> memref<320x64xf32, #tpu.memory_space<vmem>>
      tpu.enqueue_dma source(%dma_start3A_247 : memref<320x64xf32, #tpu.memory_space<vmem>>) target(%dma_start3A_243 : memref<320x64xf32, #tpu.memory_space<hbm>>) target_semaphore(%arg14 : memref<!tpu.dma_semaphore, #tpu.memory_space<semaphore_mem>>)
      %lt3A = arith.constant 19 : i32
      %lt3A_248 = arith.cmpi slt, %scan3A_109, %lt3A : i32
      %convert_element_type3A = arith.extui %lt3A_248 : i1 to i32
      %cond3A = arith.constant 0 : i32
      %cond3A_249 = arith.cmpi ne, %convert_element_type3A, %cond3A : i32
      scf.if %cond3A_249 {
        %dma_wait3A_265 = arith.constant 0 : i32
        %dma_wait3A_266 = arith.constant 0 : i32
        %dma_wait3A_267 = arith.constant 0 : i32
        %dma_wait3A_268 = tpu.memref_slice %arg6[%dma_wait3A_265, %dma_wait3A_266, %dma_wait3A_267] : memref<4x320x64xf32, #tpu.memory_space<vmem>> -> memref<1x320x64xf32, #tpu.memory_space<vmem>>
        %dma_wait3A_269 = tpu.memref_squeeze %dma_wait3A_268 : memref<1x320x64xf32, #tpu.memory_space<vmem>> -> memref<320x64xf32, #tpu.memory_space<vmem>>
        %dma_wait3A_270 = arith.constant 0 : i32
        %dma_wait3A_271 = arith.constant 0 : i32
        %dma_wait3A_272 = tpu.memref_slice %arg4[%dma_wait3A_270, %dma_wait3A_271] : memref<819200x64xf32, #tpu.memory_space<hbm>> -> memref<320x64xf32, #tpu.memory_space<hbm>>
        %dma_wait3A_273 = arith.constant 0 : i32
        %dma_wait3A_274 = arith.constant 0 : i32
        %dma_wait3A_275 = tpu.memref_slice %arg4[%dma_wait3A_273, %dma_wait3A_274] : memref<819200x64xf32, #tpu.memory_space<hbm>> -> memref<320x64xf32, #tpu.memory_space<hbm>>
        %dma_wait3A_276 = arith.constant 0 : i32
        %dma_wait3A_277 = arith.constant 0 : i32
        %dma_wait3A_278 = tpu.memref_slice %arg6[%dma_wait3A_265, %dma_wait3A_276, %dma_wait3A_277] : memref<4x320x64xf32, #tpu.memory_space<vmem>> -> memref<1x320x64xf32, #tpu.memory_space<vmem>>
        %dma_wait3A_279 = tpu.memref_squeeze %dma_wait3A_278 : memref<1x320x64xf32, #tpu.memory_space<vmem>> -> memref<320x64xf32, #tpu.memory_space<vmem>>
        tpu.wait_dma2 semaphore(%arg11 : memref<!tpu.dma_semaphore, #tpu.memory_space<semaphore_mem>>) src(%dma_wait3A_279 : memref<320x64xf32, #tpu.memory_space<vmem>>) dst(%dma_wait3A_275 : memref<320x64xf32, #tpu.memory_space<hbm>>)
        %add3A_280 = arith.constant 4 : i32
        %add3A_281 = arith.addi %mul3A_111, %add3A_280 : i32
        %add3A_282 = arith.constant 0 : i32
        %add3A_283 = arith.addi %add3A_281, %add3A_282 : i32
        %mul3A_284 = arith.constant 320 : i32
        %mul3A_285 = arith.muli %add3A_283, %mul3A_284 : i32
        %multiple_of3A_286 = tpu.assume_multiple %mul3A_285, 8 : i32
        %dma_start3A_287 = arith.constant 0 : i32
        %dma_start3A_288 = arith.constant 0 : i32
        %dma_start3A_289 = arith.constant 0 : i32
        %dma_start3A_290 = tpu.memref_slice %arg6[%dma_start3A_287, %dma_start3A_288, %dma_start3A_289] : memref<4x320x64xf32, #tpu.memory_space<vmem>> -> memref<1x320x64xf32, #tpu.memory_space<vmem>>
        %dma_start3A_291 = tpu.memref_squeeze %dma_start3A_290 : memref<1x320x64xf32, #tpu.memory_space<vmem>> -> memref<320x64xf32, #tpu.memory_space<vmem>>
        %dma_start3A_292 = tpu.memref_slice %arg5[%multiple_of3A_286] : memref<25600xi32, #tpu.memory_space<vmem>> -> memref<320xi32, #tpu.memory_space<vmem>>
        %dma_start3A_293 = arith.constant 0 : i32
        %dma_start3A_294 = arith.constant 0 : i32
        %dma_start3A_295 = tpu.memref_slice %arg3[%dma_start3A_293, %dma_start3A_294] : memref<1000000x64xf32, #tpu.memory_space<hbm>> -> memref<1000000x64xf32, #tpu.memory_space<hbm>>
        tpu.enqueue_indirect_dma source(%dma_start3A_295 : memref<1000000x64xf32, #tpu.memory_space<hbm>>) target(%dma_start3A_291 : memref<320x64xf32, #tpu.memory_space<vmem>>) offsets(%dma_start3A_292 : memref<320xi32, #tpu.memory_space<vmem>>) semaphore(%arg7 : memref<!tpu.dma_semaphore, #tpu.memory_space<semaphore_mem>>)
      } else {
      }
      %lt3A_250 = arith.constant 19 : i32
      %lt3A_251 = arith.cmpi slt, %scan3A_109, %lt3A_250 : i32
      %convert_element_type3A_252 = arith.extui %lt3A_251 : i1 to i32
      %cond3A_253 = arith.constant 0 : i32
      %cond3A_254 = arith.cmpi ne, %convert_element_type3A_252, %cond3A_253 : i32
      scf.if %cond3A_254 {
        %dma_wait3A_265 = arith.constant 1 : i32
        %dma_wait3A_266 = arith.constant 0 : i32
        %dma_wait3A_267 = arith.constant 0 : i32
        %dma_wait3A_268 = tpu.memref_slice %arg6[%dma_wait3A_265, %dma_wait3A_266, %dma_wait3A_267] : memref<4x320x64xf32, #tpu.memory_space<vmem>> -> memref<1x320x64xf32, #tpu.memory_space<vmem>>
        %dma_wait3A_269 = tpu.memref_squeeze %dma_wait3A_268 : memref<1x320x64xf32, #tpu.memory_space<vmem>> -> memref<320x64xf32, #tpu.memory_space<vmem>>
        %dma_wait3A_270 = arith.constant 0 : i32
        %dma_wait3A_271 = arith.constant 0 : i32
        %dma_wait3A_272 = tpu.memref_slice %arg4[%dma_wait3A_270, %dma_wait3A_271] : memref<819200x64xf32, #tpu.memory_space<hbm>> -> memref<320x64xf32, #tpu.memory_space<hbm>>
        %dma_wait3A_273 = arith.constant 0 : i32
        %dma_wait3A_274 = arith.constant 0 : i32
        %dma_wait3A_275 = tpu.memref_slice %arg4[%dma_wait3A_273, %dma_wait3A_274] : memref<819200x64xf32, #tpu.memory_space<hbm>> -> memref<320x64xf32, #tpu.memory_space<hbm>>
        %dma_wait3A_276 = arith.constant 0 : i32
        %dma_wait3A_277 = arith.constant 0 : i32
        %dma_wait3A_278 = tpu.memref_slice %arg6[%dma_wait3A_265, %dma_wait3A_276, %dma_wait3A_277] : memref<4x320x64xf32, #tpu.memory_space<vmem>> -> memref<1x320x64xf32, #tpu.memory_space<vmem>>
        %dma_wait3A_279 = tpu.memref_squeeze %dma_wait3A_278 : memref<1x320x64xf32, #tpu.memory_space<vmem>> -> memref<320x64xf32, #tpu.memory_space<vmem>>
        tpu.wait_dma2 semaphore(%arg12 : memref<!tpu.dma_semaphore, #tpu.memory_space<semaphore_mem>>) src(%dma_wait3A_279 : memref<320x64xf32, #tpu.memory_space<vmem>>) dst(%dma_wait3A_275 : memref<320x64xf32, #tpu.memory_space<hbm>>)
        %add3A_280 = arith.constant 4 : i32
        %add3A_281 = arith.addi %mul3A_111, %add3A_280 : i32
        %add3A_282 = arith.constant 1 : i32
        %add3A_283 = arith.addi %add3A_281, %add3A_282 : i32
        %mul3A_284 = arith.constant 320 : i32
        %mul3A_285 = arith.muli %add3A_283, %mul3A_284 : i32
        %multiple_of3A_286 = tpu.assume_multiple %mul3A_285, 8 : i32
        %dma_start3A_287 = arith.constant 1 : i32
        %dma_start3A_288 = arith.constant 0 : i32
        %dma_start3A_289 = arith.constant 0 : i32
        %dma_start3A_290 = tpu.memref_slice %arg6[%dma_start3A_287, %dma_start3A_288, %dma_start3A_289] : memref<4x320x64xf32, #tpu.memory_space<vmem>> -> memref<1x320x64xf32, #tpu.memory_space<vmem>>
        %dma_start3A_291 = tpu.memref_squeeze %dma_start3A_290 : memref<1x320x64xf32, #tpu.memory_space<vmem>> -> memref<320x64xf32, #tpu.memory_space<vmem>>
        %dma_start3A_292 = tpu.memref_slice %arg5[%multiple_of3A_286] : memref<25600xi32, #tpu.memory_space<vmem>> -> memref<320xi32, #tpu.memory_space<vmem>>
        %dma_start3A_293 = arith.constant 0 : i32
        %dma_start3A_294 = arith.constant 0 : i32
        %dma_start3A_295 = tpu.memref_slice %arg3[%dma_start3A_293, %dma_start3A_294] : memref<1000000x64xf32, #tpu.memory_space<hbm>> -> memref<1000000x64xf32, #tpu.memory_space<hbm>>
        tpu.enqueue_indirect_dma source(%dma_start3A_295 : memref<1000000x64xf32, #tpu.memory_space<hbm>>) target(%dma_start3A_291 : memref<320x64xf32, #tpu.memory_space<vmem>>) offsets(%dma_start3A_292 : memref<320xi32, #tpu.memory_space<vmem>>) semaphore(%arg8 : memref<!tpu.dma_semaphore, #tpu.memory_space<semaphore_mem>>)
      } else {
      }
      %lt3A_255 = arith.constant 19 : i32
      %lt3A_256 = arith.cmpi slt, %scan3A_109, %lt3A_255 : i32
      %convert_element_type3A_257 = arith.extui %lt3A_256 : i1 to i32
      %cond3A_258 = arith.constant 0 : i32
      %cond3A_259 = arith.cmpi ne, %convert_element_type3A_257, %cond3A_258 : i32
      scf.if %cond3A_259 {
        %dma_wait3A_265 = arith.constant 2 : i32
        %dma_wait3A_266 = arith.constant 0 : i32
        %dma_wait3A_267 = arith.constant 0 : i32
        %dma_wait3A_268 = tpu.memref_slice %arg6[%dma_wait3A_265, %dma_wait3A_266, %dma_wait3A_267] : memref<4x320x64xf32, #tpu.memory_space<vmem>> -> memref<1x320x64xf32, #tpu.memory_space<vmem>>
        %dma_wait3A_269 = tpu.memref_squeeze %dma_wait3A_268 : memref<1x320x64xf32, #tpu.memory_space<vmem>> -> memref<320x64xf32, #tpu.memory_space<vmem>>
        %dma_wait3A_270 = arith.constant 0 : i32
        %dma_wait3A_271 = arith.constant 0 : i32
        %dma_wait3A_272 = tpu.memref_slice %arg4[%dma_wait3A_270, %dma_wait3A_271] : memref<819200x64xf32, #tpu.memory_space<hbm>> -> memref<320x64xf32, #tpu.memory_space<hbm>>
        %dma_wait3A_273 = arith.constant 0 : i32
        %dma_wait3A_274 = arith.constant 0 : i32
        %dma_wait3A_275 = tpu.memref_slice %arg4[%dma_wait3A_273, %dma_wait3A_274] : memref<819200x64xf32, #tpu.memory_space<hbm>> -> memref<320x64xf32, #tpu.memory_space<hbm>>
        %dma_wait3A_276 = arith.constant 0 : i32
        %dma_wait3A_277 = arith.constant 0 : i32
        %dma_wait3A_278 = tpu.memref_slice %arg6[%dma_wait3A_265, %dma_wait3A_276, %dma_wait3A_277] : memref<4x320x64xf32, #tpu.memory_space<vmem>> -> memref<1x320x64xf32, #tpu.memory_space<vmem>>
        %dma_wait3A_279 = tpu.memref_squeeze %dma_wait3A_278 : memref<1x320x64xf32, #tpu.memory_space<vmem>> -> memref<320x64xf32, #tpu.memory_space<vmem>>
        tpu.wait_dma2 semaphore(%arg13 : memref<!tpu.dma_semaphore, #tpu.memory_space<semaphore_mem>>) src(%dma_wait3A_279 : memref<320x64xf32, #tpu.memory_space<vmem>>) dst(%dma_wait3A_275 : memref<320x64xf32, #tpu.memory_space<hbm>>)
        %add3A_280 = arith.constant 4 : i32
        %add3A_281 = arith.addi %mul3A_111, %add3A_280 : i32
        %add3A_282 = arith.constant 2 : i32
        %add3A_283 = arith.addi %add3A_281, %add3A_282 : i32
        %mul3A_284 = arith.constant 320 : i32
        %mul3A_285 = arith.muli %add3A_283, %mul3A_284 : i32
        %multiple_of3A_286 = tpu.assume_multiple %mul3A_285, 8 : i32
        %dma_start3A_287 = arith.constant 2 : i32
        %dma_start3A_288 = arith.constant 0 : i32
        %dma_start3A_289 = arith.constant 0 : i32
        %dma_start3A_290 = tpu.memref_slice %arg6[%dma_start3A_287, %dma_start3A_288, %dma_start3A_289] : memref<4x320x64xf32, #tpu.memory_space<vmem>> -> memref<1x320x64xf32, #tpu.memory_space<vmem>>
        %dma_start3A_291 = tpu.memref_squeeze %dma_start3A_290 : memref<1x320x64xf32, #tpu.memory_space<vmem>> -> memref<320x64xf32, #tpu.memory_space<vmem>>
        %dma_start3A_292 = tpu.memref_slice %arg5[%multiple_of3A_286] : memref<25600xi32, #tpu.memory_space<vmem>> -> memref<320xi32, #tpu.memory_space<vmem>>
        %dma_start3A_293 = arith.constant 0 : i32
        %dma_start3A_294 = arith.constant 0 : i32
        %dma_start3A_295 = tpu.memref_slice %arg3[%dma_start3A_293, %dma_start3A_294] : memref<1000000x64xf32, #tpu.memory_space<hbm>> -> memref<1000000x64xf32, #tpu.memory_space<hbm>>
        tpu.enqueue_indirect_dma source(%dma_start3A_295 : memref<1000000x64xf32, #tpu.memory_space<hbm>>) target(%dma_start3A_291 : memref<320x64xf32, #tpu.memory_space<vmem>>) offsets(%dma_start3A_292 : memref<320xi32, #tpu.memory_space<vmem>>) semaphore(%arg9 : memref<!tpu.dma_semaphore, #tpu.memory_space<semaphore_mem>>)
      } else {
      }
      %lt3A_260 = arith.constant 19 : i32
      %lt3A_261 = arith.cmpi slt, %scan3A_109, %lt3A_260 : i32
      %convert_element_type3A_262 = arith.extui %lt3A_261 : i1 to i32
      %cond3A_263 = arith.constant 0 : i32
      %cond3A_264 = arith.cmpi ne, %convert_element_type3A_262, %cond3A_263 : i32
      scf.if %cond3A_264 {
        %dma_wait3A_265 = arith.constant 3 : i32
        %dma_wait3A_266 = arith.constant 0 : i32
        %dma_wait3A_267 = arith.constant 0 : i32
        %dma_wait3A_268 = tpu.memref_slice %arg6[%dma_wait3A_265, %dma_wait3A_266, %dma_wait3A_267] : memref<4x320x64xf32, #tpu.memory_space<vmem>> -> memref<1x320x64xf32, #tpu.memory_space<vmem>>
        %dma_wait3A_269 = tpu.memref_squeeze %dma_wait3A_268 : memref<1x320x64xf32, #tpu.memory_space<vmem>> -> memref<320x64xf32, #tpu.memory_space<vmem>>
        %dma_wait3A_270 = arith.constant 0 : i32
        %dma_wait3A_271 = arith.constant 0 : i32
        %dma_wait3A_272 = tpu.memref_slice %arg4[%dma_wait3A_270, %dma_wait3A_271] : memref<819200x64xf32, #tpu.memory_space<hbm>> -> memref<320x64xf32, #tpu.memory_space<hbm>>
        %dma_wait3A_273 = arith.constant 0 : i32
        %dma_wait3A_274 = arith.constant 0 : i32
        %dma_wait3A_275 = tpu.memref_slice %arg4[%dma_wait3A_273, %dma_wait3A_274] : memref<819200x64xf32, #tpu.memory_space<hbm>> -> memref<320x64xf32, #tpu.memory_space<hbm>>
        %dma_wait3A_276 = arith.constant 0 : i32
        %dma_wait3A_277 = arith.constant 0 : i32
        %dma_wait3A_278 = tpu.memref_slice %arg6[%dma_wait3A_265, %dma_wait3A_276, %dma_wait3A_277] : memref<4x320x64xf32, #tpu.memory_space<vmem>> -> memref<1x320x64xf32, #tpu.memory_space<vmem>>
        %dma_wait3A_279 = tpu.memref_squeeze %dma_wait3A_278 : memref<1x320x64xf32, #tpu.memory_space<vmem>> -> memref<320x64xf32, #tpu.memory_space<vmem>>
        tpu.wait_dma2 semaphore(%arg14 : memref<!tpu.dma_semaphore, #tpu.memory_space<semaphore_mem>>) src(%dma_wait3A_279 : memref<320x64xf32, #tpu.memory_space<vmem>>) dst(%dma_wait3A_275 : memref<320x64xf32, #tpu.memory_space<hbm>>)
        %add3A_280 = arith.constant 4 : i32
        %add3A_281 = arith.addi %mul3A_111, %add3A_280 : i32
        %add3A_282 = arith.constant 3 : i32
        %add3A_283 = arith.addi %add3A_281, %add3A_282 : i32
        %mul3A_284 = arith.constant 320 : i32
        %mul3A_285 = arith.muli %add3A_283, %mul3A_284 : i32
        %multiple_of3A_286 = tpu.assume_multiple %mul3A_285, 8 : i32
        %dma_start3A_287 = arith.constant 3 : i32
        %dma_start3A_288 = arith.constant 0 : i32
        %dma_start3A_289 = arith.constant 0 : i32
        %dma_start3A_290 = tpu.memref_slice %arg6[%dma_start3A_287, %dma_start3A_288, %dma_start3A_289] : memref<4x320x64xf32, #tpu.memory_space<vmem>> -> memref<1x320x64xf32, #tpu.memory_space<vmem>>
        %dma_start3A_291 = tpu.memref_squeeze %dma_start3A_290 : memref<1x320x64xf32, #tpu.memory_space<vmem>> -> memref<320x64xf32, #tpu.memory_space<vmem>>
        %dma_start3A_292 = tpu.memref_slice %arg5[%multiple_of3A_286] : memref<25600xi32, #tpu.memory_space<vmem>> -> memref<320xi32, #tpu.memory_space<vmem>>
        %dma_start3A_293 = arith.constant 0 : i32
        %dma_start3A_294 = arith.constant 0 : i32
        %dma_start3A_295 = tpu.memref_slice %arg3[%dma_start3A_293, %dma_start3A_294] : memref<1000000x64xf32, #tpu.memory_space<hbm>> -> memref<1000000x64xf32, #tpu.memory_space<hbm>>
        tpu.enqueue_indirect_dma source(%dma_start3A_295 : memref<1000000x64xf32, #tpu.memory_space<hbm>>) target(%dma_start3A_291 : memref<320x64xf32, #tpu.memory_space<vmem>>) offsets(%dma_start3A_292 : memref<320xi32, #tpu.memory_space<vmem>>) semaphore(%arg10 : memref<!tpu.dma_semaphore, #tpu.memory_space<semaphore_mem>>)
      } else {
      }
    }
    %scan3A_49 = arith.constant 20 : i32
    %dma_wait3A = arith.constant 0 : i32
    %dma_wait3A_50 = arith.constant 0 : i32
    %dma_wait3A_51 = arith.constant 0 : i32
    %dma_wait3A_52 = tpu.memref_slice %arg6[%dma_wait3A, %dma_wait3A_50, %dma_wait3A_51] : memref<4x320x64xf32, #tpu.memory_space<vmem>> -> memref<1x320x64xf32, #tpu.memory_space<vmem>>
    %dma_wait3A_53 = tpu.memref_squeeze %dma_wait3A_52 : memref<1x320x64xf32, #tpu.memory_space<vmem>> -> memref<320x64xf32, #tpu.memory_space<vmem>>
    %dma_wait3A_54 = arith.constant 0 : i32
    %dma_wait3A_55 = arith.constant 0 : i32
    %dma_wait3A_56 = tpu.memref_slice %arg4[%dma_wait3A_54, %dma_wait3A_55] : memref<819200x64xf32, #tpu.memory_space<hbm>> -> memref<320x64xf32, #tpu.memory_space<hbm>>
    %dma_wait3A_57 = arith.constant 0 : i32
    %dma_wait3A_58 = arith.constant 0 : i32
    %dma_wait3A_59 = tpu.memref_slice %arg4[%dma_wait3A_57, %dma_wait3A_58] : memref<819200x64xf32, #tpu.memory_space<hbm>> -> memref<320x64xf32, #tpu.memory_space<hbm>>
    %dma_wait3A_60 = arith.constant 0 : i32
    %dma_wait3A_61 = arith.constant 0 : i32
    %dma_wait3A_62 = tpu.memref_slice %arg6[%dma_wait3A, %dma_wait3A_60, %dma_wait3A_61] : memref<4x320x64xf32, #tpu.memory_space<vmem>> -> memref<1x320x64xf32, #tpu.memory_space<vmem>>
    %dma_wait3A_63 = tpu.memref_squeeze %dma_wait3A_62 : memref<1x320x64xf32, #tpu.memory_space<vmem>> -> memref<320x64xf32, #tpu.memory_space<vmem>>
    tpu.wait_dma2 semaphore(%arg11 : memref<!tpu.dma_semaphore, #tpu.memory_space<semaphore_mem>>) src(%dma_wait3A_63 : memref<320x64xf32, #tpu.memory_space<vmem>>) dst(%dma_wait3A_59 : memref<320x64xf32, #tpu.memory_space<hbm>>)
    %dma_wait3A_64 = arith.constant 1 : i32
    %dma_wait3A_65 = arith.constant 0 : i32
    %dma_wait3A_66 = arith.constant 0 : i32
    %dma_wait3A_67 = tpu.memref_slice %arg6[%dma_wait3A_64, %dma_wait3A_65, %dma_wait3A_66] : memref<4x320x64xf32, #tpu.memory_space<vmem>> -> memref<1x320x64xf32, #tpu.memory_space<vmem>>
    %dma_wait3A_68 = tpu.memref_squeeze %dma_wait3A_67 : memref<1x320x64xf32, #tpu.memory_space<vmem>> -> memref<320x64xf32, #tpu.memory_space<vmem>>
    %dma_wait3A_69 = arith.constant 0 : i32
    %dma_wait3A_70 = arith.constant 0 : i32
    %dma_wait3A_71 = tpu.memref_slice %arg4[%dma_wait3A_69, %dma_wait3A_70] : memref<819200x64xf32, #tpu.memory_space<hbm>> -> memref<320x64xf32, #tpu.memory_space<hbm>>
    %dma_wait3A_72 = arith.constant 0 : i32
    %dma_wait3A_73 = arith.constant 0 : i32
    %dma_wait3A_74 = tpu.memref_slice %arg4[%dma_wait3A_72, %dma_wait3A_73] : memref<819200x64xf32, #tpu.memory_space<hbm>> -> memref<320x64xf32, #tpu.memory_space<hbm>>
    %dma_wait3A_75 = arith.constant 0 : i32
    %dma_wait3A_76 = arith.constant 0 : i32
    %dma_wait3A_77 = tpu.memref_slice %arg6[%dma_wait3A_64, %dma_wait3A_75, %dma_wait3A_76] : memref<4x320x64xf32, #tpu.memory_space<vmem>> -> memref<1x320x64xf32, #tpu.memory_space<vmem>>
    %dma_wait3A_78 = tpu.memref_squeeze %dma_wait3A_77 : memref<1x320x64xf32, #tpu.memory_space<vmem>> -> memref<320x64xf32, #tpu.memory_space<vmem>>
    tpu.wait_dma2 semaphore(%arg12 : memref<!tpu.dma_semaphore, #tpu.memory_space<semaphore_mem>>) src(%dma_wait3A_78 : memref<320x64xf32, #tpu.memory_space<vmem>>) dst(%dma_wait3A_74 : memref<320x64xf32, #tpu.memory_space<hbm>>)
    %dma_wait3A_79 = arith.constant 2 : i32
    %dma_wait3A_80 = arith.constant 0 : i32
    %dma_wait3A_81 = arith.constant 0 : i32
    %dma_wait3A_82 = tpu.memref_slice %arg6[%dma_wait3A_79, %dma_wait3A_80, %dma_wait3A_81] : memref<4x320x64xf32, #tpu.memory_space<vmem>> -> memref<1x320x64xf32, #tpu.memory_space<vmem>>
    %dma_wait3A_83 = tpu.memref_squeeze %dma_wait3A_82 : memref<1x320x64xf32, #tpu.memory_space<vmem>> -> memref<320x64xf32, #tpu.memory_space<vmem>>
    %dma_wait3A_84 = arith.constant 0 : i32
    %dma_wait3A_85 = arith.constant 0 : i32
    %dma_wait3A_86 = tpu.memref_slice %arg4[%dma_wait3A_84, %dma_wait3A_85] : memref<819200x64xf32, #tpu.memory_space<hbm>> -> memref<320x64xf32, #tpu.memory_space<hbm>>
    %dma_wait3A_87 = arith.constant 0 : i32
    %dma_wait3A_88 = arith.constant 0 : i32
    %dma_wait3A_89 = tpu.memref_slice %arg4[%dma_wait3A_87, %dma_wait3A_88] : memref<819200x64xf32, #tpu.memory_space<hbm>> -> memref<320x64xf32, #tpu.memory_space<hbm>>
    %dma_wait3A_90 = arith.constant 0 : i32
    %dma_wait3A_91 = arith.constant 0 : i32
    %dma_wait3A_92 = tpu.memref_slice %arg6[%dma_wait3A_79, %dma_wait3A_90, %dma_wait3A_91] : memref<4x320x64xf32, #tpu.memory_space<vmem>> -> memref<1x320x64xf32, #tpu.memory_space<vmem>>
    %dma_wait3A_93 = tpu.memref_squeeze %dma_wait3A_92 : memref<1x320x64xf32, #tpu.memory_space<vmem>> -> memref<320x64xf32, #tpu.memory_space<vmem>>
    tpu.wait_dma2 semaphore(%arg13 : memref<!tpu.dma_semaphore, #tpu.memory_space<semaphore_mem>>) src(%dma_wait3A_93 : memref<320x64xf32, #tpu.memory_space<vmem>>) dst(%dma_wait3A_89 : memref<320x64xf32, #tpu.memory_space<hbm>>)
    %dma_wait3A_94 = arith.constant 3 : i32
    %dma_wait3A_95 = arith.constant 0 : i32
    %dma_wait3A_96 = arith.constant 0 : i32
    %dma_wait3A_97 = tpu.memref_slice %arg6[%dma_wait3A_94, %dma_wait3A_95, %dma_wait3A_96] : memref<4x320x64xf32, #tpu.memory_space<vmem>> -> memref<1x320x64xf32, #tpu.memory_space<vmem>>
    %dma_wait3A_98 = tpu.memref_squeeze %dma_wait3A_97 : memref<1x320x64xf32, #tpu.memory_space<vmem>> -> memref<320x64xf32, #tpu.memory_space<vmem>>
    %dma_wait3A_99 = arith.constant 0 : i32
    %dma_wait3A_100 = arith.constant 0 : i32
    %dma_wait3A_101 = tpu.memref_slice %arg4[%dma_wait3A_99, %dma_wait3A_100] : memref<819200x64xf32, #tpu.memory_space<hbm>> -> memref<320x64xf32, #tpu.memory_space<hbm>>
    %dma_wait3A_102 = arith.constant 0 : i32
    %dma_wait3A_103 = arith.constant 0 : i32
    %dma_wait3A_104 = tpu.memref_slice %arg4[%dma_wait3A_102, %dma_wait3A_103] : memref<819200x64xf32, #tpu.memory_space<hbm>> -> memref<320x64xf32, #tpu.memory_space<hbm>>
    %dma_wait3A_105 = arith.constant 0 : i32
    %dma_wait3A_106 = arith.constant 0 : i32
    %dma_wait3A_107 = tpu.memref_slice %arg6[%dma_wait3A_94, %dma_wait3A_105, %dma_wait3A_106] : memref<4x320x64xf32, #tpu.memory_space<vmem>> -> memref<1x320x64xf32, #tpu.memory_space<vmem>>
    %dma_wait3A_108 = tpu.memref_squeeze %dma_wait3A_107 : memref<1x320x64xf32, #tpu.memory_space<vmem>> -> memref<320x64xf32, #tpu.memory_space<vmem>>
    tpu.wait_dma2 semaphore(%arg14 : memref<!tpu.dma_semaphore, #tpu.memory_space<semaphore_mem>>) src(%dma_wait3A_108 : memref<320x64xf32, #tpu.memory_space<vmem>>) dst(%dma_wait3A_104 : memref<320x64xf32, #tpu.memory_space<hbm>>)
    return
  }
}

</mosaic_0001>

<sc_bundles>
// kernel: kernel.3.cloned.1.call-start
scs
__scs_entry_jumppad:
0x0: {  	(pc) =	sbr.rel $0x88, $3  }
0x1: {  	(tag) =	ssettag $0x0;
	lr =	simm.s32 $0x1  }
0x2: {  	[smem:$0x3F9F] =	sst lr;
	_ =	strace $0xD0000000  }
0x3: {  	_ = 	snop  }
0x4: {  	_ = 	snop  }
0x5: {  	_ = 	snop  }
0x6: {  	_ = 	snop  }
0x7: {  	_ = 	snop  }
__scs_overlays_trampoline_lowered:
0x8: {  	[smem:$0x3FAE] =	sst s0  }
0x9: {  	[smem:$0x3FAF] =	sst s1  }
0xa: {  	[smem:$0x3FB0] =	sst s2  }
0xb: {  	[smem:$0x3FB1] =	sst s3  }
0xc: {  	[smem:$0x3FB2] =	sst s4  }
0xd: {  	[smem:$0x3FB3] =	sst s5  }
0xe: {  	[smem:$0x3FB4] =	sst s6  }
0xf: {  	[smem:$0x3FB5] =	sst s7  }
0x10: {  	[smem:$0x3FB6] =	sst s8  }
0x11: {  	[smem:$0x3FB7] =	sst s9;
	s0 =	simm.s32 @!p0 $0x0  }
0x12: {  	s1 =	sld [smem:$0x3F9D];
	s0 =	simm.s32 @p0 $0x1  }
0x13: {  	[smem:$0x3FB8] =	sst s0;
	s0 =	simm.s32 @!p1 $0x0  }
0x14: {  	s2 =	sld [smem:$0x3F9C];
	s0 =	simm.s32 @p1 $0x1  }
0x15: {  	[smem:$0x3FB9] =	sst s0;
	s0 =	simm.s32 @!p2 $0x0  }
0x16: {  	s3 =	sld [smem:$0x3FDB];
	s0 =	simm.s32 @p2 $0x1  }
0x17: {  	s4 =	simm.s32 $0x1BF5;
	[smem:$0x3FBB] =	sst s0  }
0x18: {  	s0 =	sld [smem:$0x3F9E];
	_ =	swait.ge [sflag:s4], $0x0  }
0x19: {  	s7 =	sld [smem:$0x3F9F]  }
0x1a: {  	s8 =	sadd.s32 $0xFFFFE003, lr  }
0x1b: {  	s9 =	sadd.s32 $0xFFFFFEF7, lr;
	s5 =	simm.s32 $0xFFFFFFFF;
	p2 =	slt.u32 s8, $0xFFFFF086  }
0x1c: {  	p1 =	slt.u32 s9, $0xF7A;
	s5 =	simm.s32 @!p2 $0x0  }
0x1d: {  	s5 =	simm.s32 @p1 $0x1;
	p0 =	seq.s32 s7, s2  }
0x1e: {  	s7 =	smul.u32 @!p0 $0xF7A, s2;
	p2 =	seq.s32 @!p0 s5, $0x0  }
0x1f: {  	s9 =	smul.u32 $0xF7A, s1;
	s8 =	simm.s32 @!p0 $0x1BF5;
	p2 =	por !p2, p0  }
0x20: {  	[sflag:s8] =	ssyncset.s32 @!p0 $0xFFFFF086;
	s6 =	sadd.s32 @!p0 s3, s7;
	s7 =	simm.s32 @!p0 $0x108  }
0x21: {  	s3 =	sadd.s32 s3, s9;
	s6 =	sadd.s32 @!p0 $0x88, s6;
	s7 =	simm.s32 @p2 $0x1082  }
0x22: {  	[simem:s7], [sflag:s8] =	dma.local @!p0 [hbm:s6], $0xF7A  }
0x23: {  	s9 =	sor.u32 $0xD0000000, s2;
	s6 =	simm.s32 $0x108;
	_ =	swait.ge @!p0 [sflag:s8], $0x0  }
0x24: {  	s3 =	sadd.s32 $0x88, s3;
	s6 =	simm.s32 @!p1 $0x1082;
	[sflag:s4] =	ssyncset.s32 $0xFFFFF086  }
0x25: {  	[simem:s6], [sflag:s4] =	dma.local [hbm:s3], $0xF7A  }
0x26: {  	[smem:$0x3F9F] =	sst s1;
	(tag) =	ssettag s2;
	_ =	strace s9  }
0x27: {  	s1 =	sld [smem:$0x3FAF]  }
0x28: {  	s2 =	sld [smem:$0x3FB0]  }
0x29: {  	s4 =	sld [smem:$0x3FB2]  }
0x2a: {  	p0 =	seq.s32 s5, $0x0;
	s5 =	sld [smem:$0x3FB3]  }
0x2b: {  	s6 =	sld [smem:$0x3FB4]  }
0x2c: {  	s7 =	sld [smem:$0x3FB5]  }
0x2d: {  	s3 =	simm.s32 $0x108;
	s8 =	sld [smem:$0x3FB6]  }
0x2e: {  	s3 =	simm.s32 @!p0 $0x1082;
	s9 =	sld [smem:$0x3FB7]  }
0x2f: {  	lr =	sadd.s32 s0, s3;
	s0 =	sld [smem:$0x3FAE]  }
0x30: {  	s3 =	sld [smem:$0x3FB1]  }
0x31: {  	[smem:$0x3FBA] =	sst s10  }
0x32: {  	s10 =	sld [smem:$0x3FB8];
	_ =	sdelay $0x3  }
0x33: {  	p0 =	seq.s32 s10, $0x1;
	s10 =	sld [smem:$0x3FBA];
	_ =	sdelay $0x3  }
0x34: {  	[smem:$0x3FBA] =	sst s10  }
0x35: {  	s10 =	sld [smem:$0x3FB9];
	_ =	sdelay $0x3  }
0x36: {  	p1 =	seq.s32 s10, $0x1;
	s10 =	sld [smem:$0x3FBA];
	_ =	sdelay $0x3  }
0x37: {  	[smem:$0x3FBA] =	sst s10  }
0x38: {  	s10 =	sld [smem:$0x3FBB]  }
0x39: {  	_ = 	snop;
	(pc) =	sbr.ind lr, $3  }
0x3a: {  	_ = 	snop  }
0x3b: {  	_ = 	snop  }
0x3c: {  	p2 =	seq.s32 s10, $0x1;
	s10 =	sld [smem:$0x3FBA]  }
0x3d: {  	_ =	shalt  }
0x3e: {  	_ =	shalt  }
0x3f: {  	_ =	shalt  }
0x40: {  	_ =	shalt  }
0x41: {  	_ =	shalt  }
0x42: {  	_ =	shalt  }
0x43: {  	_ =	shalt  }
0x44: {  	_ =	shalt  }
0x45: {  	_ =	shalt  }
0x46: {  	_ =	shalt  }
0x47: {  	_ =	shalt  }
0x48: {  	_ =	shalt  }
0x49: {  	_ =	shalt  }
0x4a: {  	_ =	shalt  }
0x4b: {  	_ =	shalt  }
0x4c: {  	_ =	shalt  }
0x4d: {  	_ =	shalt  }
0x4e: {  	_ =	shalt  }
0x4f: {  	_ =	shalt  }
0x50: {  	_ =	shalt  }
0x51: {  	_ =	shalt  }
0x52: {  	_ =	shalt  }
0x53: {  	_ =	shalt  }
0x54: {  	_ =	shalt  }
0x55: {  	_ =	shalt  }
0x56: {  	_ =	shalt  }
0x57: {  	_ =	shalt  }
0x58: {  	_ =	shalt  }
0x59: {  	_ =	shalt  }
0x5a: {  	_ =	shalt  }
0x5b: {  	_ =	shalt  }
0x5c: {  	_ =	shalt  }
0x5d: {  	_ =	shalt  }
0x5e: {  	_ =	shalt  }
0x5f: {  	_ =	shalt  }
0x60: {  	_ =	shalt  }
0x61: {  	_ =	shalt  }
0x62: {  	_ =	shalt  }
0x63: {  	_ =	shalt  }
0x64: {  	_ =	shalt  }
0x65: {  	_ =	shalt  }
0x66: {  	_ =	shalt  }
0x67: {  	_ =	shalt  }
0x68: {  	_ =	shalt  }
0x69: {  	_ =	shalt  }
0x6a: {  	_ =	shalt  }
0x6b: {  	_ =	shalt  }
0x6c: {  	_ =	shalt  }
0x6d: {  	_ =	shalt  }
0x6e: {  	_ =	shalt  }
0x6f: {  	_ =	shalt  }
0x70: {  	_ =	shalt  }
0x71: {  	_ =	shalt  }
0x72: {  	_ =	shalt  }
0x73: {  	_ =	shalt  }
0x74: {  	_ =	shalt  }
0x75: {  	_ =	shalt  }
0x76: {  	_ =	shalt  }
0x77: {  	_ =	shalt  }
0x78: {  	_ =	shalt  }
0x79: {  	_ =	shalt  }
0x7a: {  	_ =	shalt  }
0x7b: {  	_ =	shalt  }
0x7c: {  	_ =	shalt  }
0x7d: {  	_ =	shalt  }
0x7e: {  	_ =	shalt  }
0x7f: {  	_ =	shalt  }
0x80: {  	_ =	shalt  }
0x81: {  	_ =	shalt  }
0x82: {  	_ =	shalt  }
0x83: {  	_ =	shalt  }
0x84: {  	_ =	shalt  }
0x85: {  	_ =	shalt  }
0x86: {  	_ =	shalt  }
0x87: {  	_ =	shalt  }
.Lfunc_end0:
.L_simem_size_0:
called_computation.1_lowered:
.L_overlay_start_0:
0x88: {  	s2 =	sld [smem:$0x3FD9]  }
0x89: {  	s3 =	sld [smem:$0x3FFE];
	_ =	sdelay $0x1  }
0x8a: {  	s1 =	srdreg.scid  }
0x8b: {  	s0 =	sand.u32 $0x1, s1  }
0x8c: {  	s17 =	sshll.u32 s0, $0xA;
	s2 =	sadd.s32 s3, s2  }
0x8d: {  	s2 =	sadd.s32 s2, s17  }
0x8e: {  	[smem:$0x3FC6] =	sst s2  }
0x8f: {  	_ = 	snop  }
0x90: {  	s2 =	sld [smem:$0x3FD0];
	(tm) =	ssettm $0x1  }
0x91: {  	s18 =	sld [smem:$0x3FFB];
	_ =	sdelay $0x3  }
0x92: {  	_ =	strace s18  }
0x93: {  	s3 =	sld [smem:$0x3FFC];
	_ =	sdelay $0x3  }
0x94: {  	_ =	strace s3  }
0x95: {  	s3 =	sld [smem:$0x3FFD];
	_ =	sdelay $0x3  }
0x96: {  	_ =	strace s3  }
0x97: {  	_ =	strace $0x8FFFFFFF  }
0x98: {  	s19 =	sld [smem:$0x3FDB];
	_ =	sdelay $0x1  }
0x99: {  	s4 =	simm.s32 $_scs_section_size  }
0x9a: {  	s5 =	simm.s32 $_size__tile_overlayer_lowered;
	s6 =	simm.s32 $_tile_overlayer_lowered  }
0x9b: {  	s22 =	simm.s32 $0x1BFF;
	s21 =	sshll.u32 s6, $0x1;
	s3 =	sadd.s32 s4, s19  }
0x9c: {  	s7 =	simm.s32 $0x0;
	s20 =	sshll.u32 s5, $0x1;
	s5 =	sadd.s32 s21, s3  }
0x9d: {  	[timem:s7], [sflag:s22] =	dma.local [hbm:s5], s20  }
0x9e: {  	_ =	swait.ge [sflag:s22], s20  }
0x9f: {  	s4 =	ssub.s32 $0x0, s20;
	[sflag:s22] =	ssyncset.done $0x0  }
0xa0: {  	[sflag:s22] =	ssyncadd.s32 s4;
	_ =	sdelay $0x1  }
0xa1: {  	s23 =	simm.s32 $0x1B8B  }
0xa2: {  	_ =	swait.ge [sflag:s23], $0x1  }
0xa3: {  	[sflag:s23] =	ssyncset.done $0x0  }
0xa4: {  	s25 =	simm.s32 $0x1B8E;
	s24 =	sld [smem:$0x3FFE];
	[sflag:s23] =	ssyncadd.s32 $0xFFFFFFFF  }
0xa5: {  	s26 =	simm.s32 $execute0_lowered;
	[smem:$0x3FD2] =	sst s25  }
0xa6: {  	s5 =	sshll.u32 s26, $0x1;
	_ =	strace $0x80000046;
	[dreg:$0x1] =	wrdreg $0xFFFFFFFF  }
0xa7: {  	s28 =	simm.s32 $_size_execute0_lowered;
	s3 =	sadd.s32 s3, s5;
	[dreg:$0x0] =	wrdreg $0x0  }
0xa8: {  	s5 =	sshll.u32 s28, $0x1;
	[dreg:$0x2] =	wrdreg s3  }
0xa9: {  	[dreg:$0x3] =	wrdreg s5  }
0xaa: {  	[dreg:$0x4] =	wrdreg $0xC0  }
0xab: {  	_ =	task [dreg:s7], $0x5FFFF  }
0xac: {  	[dreg:$0x1] =	wrdreg $0xFFFFFFFF  }
0xad: {  	[dreg:$0x0] =	wrdreg $0x60  }
0xae: {  	[dreg:$0x2] =	wrdreg s24  }
0xaf: {  	[dreg:$0x3] =	wrdreg s2  }
0xb0: {  	[dreg:$0x4] =	wrdreg $0x9  }
0xb1: {  	_ =	task.clear_ibuf [dreg:s7], $0x5FFFF;
	_ =	strace $0x90000046  }
0xb2: {  	s29 =	simm.s32 $0x9;
	_ =	strace $0x80000048  }
0xb3: {  	_ =	swait.ge [sflag:s29], $0x1  }
0xb4: {  	[sflag:s29] =	ssyncadd.s32 $0xFFFFFFFF  }
0xb5: {  	_ =	strace $0x90000048  }
0xb6: {  	_ =	sfence  }
0xb7: {  	s30 =	sld [smem:$0x0];
	_ =	sdelay $0x2  }
0xb8: {  	s31 =	sshll.u32 s1, $0xD;
	s1 =	sshrl.u32 s1, $0x2  }
0xb9: {  	s3 =	sand.u32 $0x4000, s31;
	s1 =	sadd.s32 s1, s30  }
0xba: {  	s0 =	sor.u32 s3, s0;
	s1 =	sshll.u32 s1, $0x11  }
0xbb: {  	s0 =	sor.u32 s1, s0  }
0xbc: {  	s0 =	sadd.s32 $0x8F2B, s0  }
0xbd: {  	[sflag:s0] =	ssyncadd.remote.s32 $0x1  }
0xbe: {  	_ =	sfence.sel $0xFFFF  }
0xbf: {  	[dreg:$0x0] =	wrdreg $0xFFFFFFFF;
	(pc) =	sbr.abs _section_cstart, $3  }
0xc0: {  	[dreg:$0x1] =	wrdreg $0xFFFFFFFF  }
0xc1: {  	_ =	task.clear_ibuf [dreg:s7], $0x2FFFF;
	_ =	strace $0x9FFFFFFF  }
0xc2: {  	(tm) =	ssettm $0x7FFFFFFF  }
0xc3: {  	_ =	shalt  }
tec
execute0_lowered:
.L_overlay_start_1:
0x0: {  	(tag) =	ssettag $0x1  }
0x1: {  	s0 =	rddreg [dreg:$0x0];
	s1 =	srdreg.scid  }
0x2: {  	s10 =	stileid.u32;
	s13 =	rddreg [dreg:$0x1];
	s2 =	simm.s32 $0x0  }
0x3: {  	s15 =	simm.s32 $0x140;
	s16 =	simm.s32 $0x6400;
	s17 =	simm.s32 $0xB400  }
0x4: {  	s28 =	simm.s32 $0x6;
	s29 =	simm.s32 $0x7;
	s7 =	smul.u32 $0xC800, s10  }
0x5: {  	s30 =	simm.s32 $0x8;
	s1 =	sand.u32 $0x1, s1;
	s14 =	smul.u32 $0x64000, s10  }
0x6: {  	s31 =	simm.s32 $0x0;
	s3 =	sshll.u32 s10, $0x1;
	s9 =	smul.u32 $0x6400, s1  }
0x7: {  	[smem:$0x7FF] =	sst s2;
	s3 =	sor.u32 s1, s3;
	s25 =	smul.u32 $0x32000, s1  }
0x8: {  	_ =	strace $0x80000047;
	s20 =	ssub.s32 $0x2, s1;
	s4 =	smul.u32 $0x6400, s3  }
0x9: {  	s6 =	smul.u32 $0x32000, s3;
	s8 =	sshrl.u32 s20, $0x1;
	s3 =	sadd.s32 $0xF42E00, s0  }
0xa: {  	s26 =	sadd.s32 s14, s13;
	s14 =	simm.s32 $0x9;
	s21 =	ssub.s32 s20, s8  }
0xb: {  	s24 =	sadd.s32 s9, s7;
	s19 =	sshrl.u32 s4, $0x3;
	s23 =	sadd.s32 s13, s6  }
0xc: {  	s9 =	sshll.u32 s24, $0x3;
	s24 =	simm.s32 $0x3;
	s5 =	sadd.s32 s19, s0  }
0xd: {  	s6 =	sadd.s32 $0x2F800, s23;
	s7 =	sadd.s32 $0x30200, s23;
	s8 =	sadd.s32 $0x30C00, s23  }
0xe: {  	s12 =	sadd.s32 s9, s13;
	s9 =	sadd.s32 $0x31600, s23;
	s13 =	sadd.s32 s25, s26  }
0xf: {  	s19 =	simm.s32 $0x10400;
	s23 =	simm.s32 $0x2;
	s25 =	simm.s32 $0x4  }
0x10: {  	s26 =	simm.s32 $0x5;
	s22 =	sadd.s32 $0xA00, s5;
	s5 =	smax.u32 s21, $0x1  }
0x11: {  	s10 =	sadd.s32 $0x1E00, s12;
	s11 =	sadd.s32 $0x1400, s12;
	s12 =	sadd.s32 $0xA00, s12  }
0x12: {  	s21 =	simm.s32 $0x15400;
	[dreg:$0x3] =	wrdreg s22;
	s22 =	simm.s32 $0x1  }
.LBB2_1:
0x13: {  	s0 =	rddreg [dreg:$0x3]  }
0x14: {  	[tilespmem:s2], [sflag:$0x9] =	stream.linear.gather [hbm4b:s0+s2], $0x6400, $0x38;
	[tilespmem:$0x1A400] =	vst v63  }
0x15: {  	_ =	swait.ge [sflag:s14], $0x6400  }
0x16: {  	[sflag:s14] =	ssyncset.done $0x0  }
0x17: {  	[sflag:s14] =	ssyncadd.s32 $0xFFFF9C00  }
0x18: {  	[tilespmem:s16], [sflag:$0x1] =	stream.indirect.gather [hbm4b:s3+s15], $0x40, s2, s15, $0xb8;
	[tilespmem:$0x1A400] =	vst v63  }
0x19: {  	_ = 	snop  }
0x1a: {  	[tilespmem:s17], [sflag:$0x2] =	stream.indirect.gather [hbm4b:s3+s15], $0x40, s15, s15, $0xb8;
	[tilespmem:$0x1A400] =	vst v63  }
0x1b: {  	s20 =	simm.s32 $0x280  }
0x1c: {  	[tilespmem:s19], [sflag:$0x3] =	stream.indirect.gather [hbm4b:s3+s15], $0x40, s20, s15, $0xb8;
	[tilespmem:$0x1A400] =	vst v63  }
0x1d: {  	s1 =	simm.s32 $0x3C0  }
0x1e: {  	[tilespmem:s21], [sflag:$0x4] =	stream.indirect.gather [hbm4b:s3+s15], $0x40, s1, s15, $0xb8;
	[tilespmem:$0x1A400] =	vst v63  }
0x1f: {  	_ =	swait.ge [sflag:s22], $0x5000  }
0x20: {  	[sflag:s22] =	ssyncset.done $0x0  }
0x21: {  	s4 =	sadd.s32 $0x0, s13;
	[sflag:s22] =	ssyncadd.s32 $0xFFFFB000  }
0x22: {  	[hbm4b:s4+s2] =	stream.linear.scatter [tilespmem:s16], [sflag:$0x5], $0x5000, $0x38;
	[tilespmem:$0x1A400] =	vst v63  }
0x23: {  	_ =	swait.ge [sflag:s23], $0x5000  }
0x24: {  	[sflag:s23] =	ssyncset.done $0x0  }
0x25: {  	s18 =	sadd.s32 $0x0, s12;
	[sflag:s23] =	ssyncadd.s32 $0xFFFFB000  }
0x26: {  	[hbm4b:s18+s2] =	stream.linear.scatter [tilespmem:s17], [sflag:$0x6], $0x5000, $0x38;
	[tilespmem:$0x1A400] =	vst v63  }
0x27: {  	_ =	swait.ge [sflag:s24], $0x5000  }
0x28: {  	[sflag:s24] =	ssyncset.done $0x0  }
0x29: {  	s20 =	sadd.s32 $0x0, s11;
	[sflag:s24] =	ssyncadd.s32 $0xFFFFB000  }
0x2a: {  	[hbm4b:s20+s2] =	stream.linear.scatter [tilespmem:s19], [sflag:$0x7], $0x5000, $0x38;
	[tilespmem:$0x1A400] =	vst v63  }
0x2b: {  	_ =	swait.ge [sflag:s25], $0x5000  }
0x2c: {  	[sflag:s25] =	ssyncset.done $0x0  }
0x2d: {  	s1 =	sadd.s32 $0x0, s10;
	[sflag:s25] =	ssyncadd.s32 $0xFFFFB000  }
0x2e: {  	[hbm4b:s1+s2] =	stream.linear.scatter [tilespmem:s21], [sflag:$0x8], $0x5000, $0x38;
	[tilespmem:$0x1A400] =	vst v63  }
0x2f: {  	_ =	swait.ge [sflag:s26], $0x5000  }
0x30: {  	[sflag:s26] =	ssyncset.done $0x0  }
0x31: {  	s4 =	simm.s32 $0x500;
	[sflag:s26] =	ssyncadd.s32 $0xFFFFB000  }
0x32: {  	[tilespmem:s16], [sflag:$0x1] =	stream.indirect.gather [hbm4b:s3+s15], $0x40, s4, s15, $0xb8;
	[tilespmem:$0x1A400] =	vst v63  }
0x33: {  	_ =	swait.ge [sflag:s28], $0x5000  }
0x34: {  	[sflag:s28] =	ssyncset.done $0x0  }
0x35: {  	s18 =	simm.s32 $0x640;
	[sflag:s28] =	ssyncadd.s32 $0xFFFFB000  }
0x36: {  	[tilespmem:s17], [sflag:$0x2] =	stream.indirect.gather [hbm4b:s3+s15], $0x40, s18, s15, $0xb8;
	[tilespmem:$0x1A400] =	vst v63  }
0x37: {  	_ =	swait.ge [sflag:s29], $0x5000  }
0x38: {  	[sflag:s29] =	ssyncset.done $0x0  }
0x39: {  	s20 =	simm.s32 $0x780;
	[sflag:s29] =	ssyncadd.s32 $0xFFFFB000  }
0x3a: {  	[tilespmem:s19], [sflag:$0x3] =	stream.indirect.gather [hbm4b:s3+s15], $0x40, s20, s15, $0xb8;
	[tilespmem:$0x1A400] =	vst v63  }
0x3b: {  	_ =	swait.ge [sflag:s30], $0x5000  }
0x3c: {  	s0 =	simm.s32 $0x2800;
	[sflag:s30] =	ssyncset.done $0x0  }
0x3d: {  	s1 =	simm.s32 $0x8C0;
	s18 =	simm.s32 $0xDC0;
	[sflag:s30] =	ssyncadd.s32 $0xFFFFB000  }
.LBB2_2:
0x3e: {  	[tilespmem:s21], [sflag:$0x4] =	stream.indirect.gather [hbm4b:s3+s15], $0x40, s1, s15, $0xb8;
	[tilespmem:$0x1A400] =	vst v63  }
0x3f: {  	s20 =	smov.u32 s0;
	s1 =	smov.u32 s18  }
0x40: {  	p0 =	sne.s32 s0, $0x2D000;
	s0 =	sadd.s32 $0x2800, s0;
	_ =	swait.ge [sflag:s22], $0x5000  }
0x41: {  	[sflag:s22] =	ssyncset.done $0x0  }
0x42: {  	s4 =	sadd.s32 s20, s13;
	[sflag:s22] =	ssyncadd.s32 $0xFFFFB000  }
0x43: {  	[hbm4b:s4+s2] =	stream.linear.scatter [tilespmem:s16], [sflag:$0x5], $0x5000, $0x38;
	[tilespmem:$0x1A400] =	vst v63  }
0x44: {  	_ =	swait.ge [sflag:s23], $0x5000  }
0x45: {  	[sflag:s23] =	ssyncset.done $0x0  }
0x46: {  	s4 =	sadd.s32 s20, s12;
	[sflag:s23] =	ssyncadd.s32 $0xFFFFB000  }
0x47: {  	[hbm4b:s4+s2] =	stream.linear.scatter [tilespmem:s17], [sflag:$0x6], $0x5000, $0x38;
	[tilespmem:$0x1A400] =	vst v63  }
0x48: {  	_ =	swait.ge [sflag:s24], $0x5000  }
0x49: {  	[sflag:s24] =	ssyncset.done $0x0  }
0x4a: {  	s4 =	sadd.s32 s20, s11;
	[sflag:s24] =	ssyncadd.s32 $0xFFFFB000  }
0x4b: {  	[hbm4b:s4+s2] =	stream.linear.scatter [tilespmem:s19], [sflag:$0x7], $0x5000, $0x38;
	[tilespmem:$0x1A400] =	vst v63  }
0x4c: {  	_ =	swait.ge [sflag:s25], $0x5000  }
0x4d: {  	[sflag:s25] =	ssyncset.done $0x0  }
0x4e: {  	s4 =	sadd.s32 s20, s10;
	[sflag:s25] =	ssyncadd.s32 $0xFFFFB000  }
0x4f: {  	[hbm4b:s4+s2] =	stream.linear.scatter [tilespmem:s21], [sflag:$0x8], $0x5000, $0x38;
	[tilespmem:$0x1A400] =	vst v63  }
0x50: {  	_ =	swait.ge [sflag:s26], $0x5000  }
0x51: {  	[sflag:s26] =	ssyncset.done $0x0  }
0x52: {  	s4 =	sadd.s32 $0xFFFFFC40, s18;
	[sflag:s26] =	ssyncadd.s32 $0xFFFFB000  }
0x53: {  	[tilespmem:s16], [sflag:$0x1] =	stream.indirect.gather [hbm4b:s3+s15], $0x40, s4, s15, $0xb8;
	[tilespmem:$0x1A400] =	vst v63  }
0x54: {  	_ =	swait.ge [sflag:s28], $0x5000  }
0x55: {  	[sflag:s28] =	ssyncset.done $0x0  }
0x56: {  	s4 =	sadd.s32 $0xFFFFFD80, s18;
	[sflag:s28] =	ssyncadd.s32 $0xFFFFB000  }
0x57: {  	[tilespmem:s17], [sflag:$0x2] =	stream.indirect.gather [hbm4b:s3+s15], $0x40, s4, s15, $0xb8;
	[tilespmem:$0x1A400] =	vst v63  }
0x58: {  	_ =	swait.ge [sflag:s29], $0x5000  }
0x59: {  	[sflag:s29] =	ssyncset.done $0x0  }
.Ltmp0:
0x5a: {  	s4 =	sadd.s32 $0xFFFFFEC0, s18;
	[sflag:s29] =	ssyncadd.s32 $0xFFFFB000;
	(pc) =	sbr.rel @p0 .LBB2_2-.Ltmp0, $4  }
0x5b: {  	[tilespmem:s19], [sflag:$0x3] =	stream.indirect.gather [hbm4b:s3+s15], $0x40, s4, s15, $0xb8;
	[tilespmem:$0x1A400] =	vst v63  }
0x5c: {  	_ =	swait.ge [sflag:s30], $0x5000  }
0x5d: {  	[sflag:s30] =	ssyncset.done $0x0  }
0x5e: {  	s18 =	sadd.s32 $0x500, s18;
	[sflag:s30] =	ssyncadd.s32 $0xFFFFB000  }
0x5f: {  	[tilespmem:s21], [sflag:$0x4] =	stream.indirect.gather [hbm4b:s3+s15], $0x40, s1, s15, $0xb8;
	[tilespmem:$0x1A400] =	vst v63  }
0x60: {  	_ =	swait.ge [sflag:s22], $0x5000  }
0x61: {  	[sflag:s22] =	ssyncset.done $0x0  }
0x62: {  	[sflag:s22] =	ssyncadd.s32 $0xFFFFB000  }
0x63: {  	[hbm4b:s6+s2] =	stream.linear.scatter [tilespmem:s16], [sflag:$0x5], $0x5000, $0x38;
	[tilespmem:$0x1A400] =	vst v63  }
0x64: {  	_ =	swait.ge [sflag:s23], $0x5000  }
0x65: {  	[sflag:s23] =	ssyncset.done $0x0  }
0x66: {  	[sflag:s23] =	ssyncadd.s32 $0xFFFFB000  }
0x67: {  	[hbm4b:s7+s2] =	stream.linear.scatter [tilespmem:s17], [sflag:$0x6], $0x5000, $0x38;
	[tilespmem:$0x1A400] =	vst v63  }
0x68: {  	_ =	swait.ge [sflag:s24], $0x5000  }
0x69: {  	[sflag:s24] =	ssyncset.done $0x0  }
0x6a: {  	[sflag:s24] =	ssyncadd.s32 $0xFFFFB000  }
0x6b: {  	[hbm4b:s8+s2] =	stream.linear.scatter [tilespmem:s19], [sflag:$0x7], $0x5000, $0x38;
	[tilespmem:$0x1A400] =	vst v63  }
0x6c: {  	_ =	swait.ge [sflag:s25], $0x5000  }
0x6d: {  	[sflag:s25] =	ssyncset.done $0x0  }
0x6e: {  	[sflag:s25] =	ssyncadd.s32 $0xFFFFB000  }
0x6f: {  	[hbm4b:s9+s2] =	stream.linear.scatter [tilespmem:s21], [sflag:$0x8], $0x5000, $0x38;
	[tilespmem:$0x1A400] =	vst v63  }
0x70: {  	_ =	swait.ge [sflag:s26], $0x5000  }
0x71: {  	[sflag:s26] =	ssyncset.done $0x0  }
0x72: {  	[sflag:s26] =	ssyncadd.s32 $0xFFFFB000  }
0x73: {  	_ =	swait.ge [sflag:s28], $0x5000  }
0x74: {  	[sflag:s28] =	ssyncset.done $0x0  }
0x75: {  	s31 =	sadd.s32 $0x1, s31;
	[sflag:s28] =	ssyncadd.s32 $0xFFFFB000  }
0x76: {  	p0 =	sne.s32 s31, s5;
	_ =	swait.ge [sflag:s29], $0x5000  }
.Ltmp1:
0x77: {  	[sflag:s29] =	ssyncset.done $0x0;
	(pc) =	sbr.rel @p0 .LBB2_1-.Ltmp1, $4  }
0x78: {  	[sflag:s29] =	ssyncadd.s32 $0xFFFFB000  }
0x79: {  	_ =	swait.ge [sflag:s30], $0x5000  }
0x7a: {  	[sflag:s30] =	ssyncset.done $0x0  }
0x7b: {  	[sflag:s30] =	ssyncadd.s32 $0xFFFFB000  }
0x7c: {  	_ =	sfence.sel $0x180000  }
0x7d: {  	[bflag:$0x0] =	sbarrier.arrive $0xFFFF  }
0x7e: {  	_ =	strace $0x90000047  }
0x7f: {  	s0 =	stileid.u32;
	[bflag:$0x2] =	sbarrier.arrive $0xFFFF  }
0x80: {  	p0 =	sne.s32 s0, $0x0;
	s0 =	rddreg [dreg:$0x2]  }
0x81: {  	s0 =	sadd.s32 @!p0 $0x100000, s0  }
0x82: {  	[sflag:s0] =	ssyncadd.tile.s32 @!p0 $0x1;
	_ =	shalt  }
.Lfunc_end2:
_tile_overlayer_lowered:
.L_overlay_start_2:
0x83: {  	(tag) =	ssettag $0x2  }
0x84: {  	s0 =	rddreg [dreg:$0x0];
	s2 =	stileid.u32  }
0x85: {  	s1 =	rddreg [dreg:$0x1];
	p0 =	sne.s32 s2, $0x0  }
0x86: {  	s3 =	rddreg [dreg:$0x2];
	[bflag:$0x3] =	sbarrier.arrive $0xFFFF;
	s2 =	simm.s32 @!p0 $0x1C09  }
0x87: {  	[timem:s3], [sflag:s2] =	dma.local @!p0 [hbm:s0], s1  }
0x88: {  	s0 =	simm.s32 @!p0 $0x9  }
0x89: {  	_ =	swait.ge @!p0 [sflag:s0], s1  }
0x8a: {  	s1 =	ssub.s32 @!p0 $0x0, s1;
	[sflag:s0] =	ssyncset.done @!p0 $0x0  }
0x8b: {  	[sflag:s0] =	ssyncadd.s32 @!p0 s1  }
0x8c: {  	[bflag:$0x3] =	sbarrier.arrive $0xFFFF  }
0x8d: {  	_ =	shalt  }

// kernel: sparse-core-data-format-call.cloned.1.call-start
scs
called_computation_lowered:
.L_overlay_start_0:
0x0: {  	s2 =	sld [smem:$0x3FD9]  }
0x1: {  	s3 =	sld [smem:$0x3FFE];
	_ =	sdelay $0x1  }
0x2: {  	s1 =	srdreg.scid  }
0x3: {  	s0 =	sand.u32 $0x1, s1  }
0x4: {  	s18 =	sshll.u32 s0, $0xA;
	s2 =	sadd.s32 s3, s2  }
0x5: {  	s2 =	sadd.s32 s2, s18  }
0x6: {  	[smem:$0x3FC6] =	sst s2  }
0x7: {  	_ = 	snop  }
0x8: {  	s2 =	sld [smem:$0x3FD0];
	(tm) =	ssettm $0x1  }
0x9: {  	s19 =	sld [smem:$0x3FFB];
	_ =	sdelay $0x3  }
0xa: {  	_ =	strace s19  }
0xb: {  	s3 =	sld [smem:$0x3FFC];
	_ =	sdelay $0x3  }
0xc: {  	_ =	strace s3  }
0xd: {  	s3 =	sld [smem:$0x3FFD];
	_ =	sdelay $0x3  }
0xe: {  	_ =	strace s3  }
0xf: {  	_ =	strace $0x8FFFFFFF  }
0x10: {  	s20 =	sld [smem:$0x3FDB];
	_ =	sdelay $0x1  }
0x11: {  	s4 =	simm.s32 $_scs_section_size  }
0x12: {  	s5 =	simm.s32 $_size__tile_overlayer_lowered;
	s6 =	simm.s32 $_tile_overlayer_lowered  }
0x13: {  	s23 =	simm.s32 $0x1BFF;
	s22 =	sshll.u32 s6, $0x1;
	s3 =	sadd.s32 s4, s20  }
0x14: {  	s7 =	simm.s32 $0x0;
	s21 =	sshll.u32 s5, $0x1;
	s5 =	sadd.s32 s22, s3  }
0x15: {  	[timem:s7], [sflag:s23] =	dma.local [hbm:s5], s21  }
0x16: {  	_ =	swait.ge [sflag:s23], s21  }
0x17: {  	s4 =	ssub.s32 $0x0, s21;
	[sflag:s23] =	ssyncset.done $0x0  }
0x18: {  	[sflag:s23] =	ssyncadd.s32 s4;
	_ =	sdelay $0x1  }
0x19: {  	s24 =	simm.s32 $0x1B8B  }
0x1a: {  	_ =	swait.ge [sflag:s24], $0x1  }
0x1b: {  	[sflag:s24] =	ssyncset.done $0x0  }
0x1c: {  	s26 =	simm.s32 $0x1B8E;
	s25 =	sld [smem:$0x3FFE];
	[sflag:s24] =	ssyncadd.s32 $0xFFFFFFFF  }
0x1d: {  	s27 =	simm.s32 $execute0_lowered;
	[smem:$0x3FD2] =	sst s26  }
0x1e: {  	s5 =	sshll.u32 s27, $0x1;
	_ =	strace $0x80000049;
	[dreg:$0x1] =	wrdreg $0xFFFFFFFF  }
0x1f: {  	s28 =	simm.s32 $_size_execute0_lowered;
	s3 =	sadd.s32 s3, s5;
	[dreg:$0x0] =	wrdreg $0x0  }
0x20: {  	s5 =	sshll.u32 s28, $0x1;
	[dreg:$0x2] =	wrdreg s3  }
0x21: {  	[dreg:$0x3] =	wrdreg s5  }
0x22: {  	[dreg:$0x4] =	wrdreg $0xC0  }
0x23: {  	_ =	task [dreg:s7], $0x5FFFF  }
0x24: {  	[dreg:$0x1] =	wrdreg $0xFFFFFFFF  }
0x25: {  	[dreg:$0x0] =	wrdreg $0x60  }
0x26: {  	[dreg:$0x2] =	wrdreg s25  }
0x27: {  	[dreg:$0x3] =	wrdreg s2  }
0x28: {  	[dreg:$0x4] =	wrdreg $0x9  }
0x29: {  	_ =	task.clear_ibuf [dreg:s7], $0x5FFFF;
	_ =	strace $0x90000049  }
0x2a: {  	s29 =	simm.s32 $0x9;
	_ =	strace $0x8000004B  }
0x2b: {  	_ =	swait.ge [sflag:s29], $0x1  }
0x2c: {  	[sflag:s29] =	ssyncadd.s32 $0xFFFFFFFF  }
0x2d: {  	_ =	strace $0x9000004B  }
0x2e: {  	_ =	sfence  }
0x2f: {  	s30 =	sld [smem:$0x0];
	_ =	sdelay $0x2  }
0x30: {  	s31 =	sshll.u32 s1, $0xD;
	s1 =	sshrl.u32 s1, $0x2  }
0x31: {  	s3 =	sand.u32 $0x4000, s31;
	s1 =	sadd.s32 s1, s30  }
0x32: {  	s0 =	sor.u32 s3, s0;
	s1 =	sshll.u32 s1, $0x11  }
0x33: {  	s0 =	sor.u32 s1, s0  }
0x34: {  	s0 =	sadd.s32 $0x8F2B, s0  }
0x35: {  	[sflag:s0] =	ssyncadd.remote.s32 $0x1  }
0x36: {  	_ =	sfence.sel $0xFFFF  }
0x37: {  	[dreg:$0x0] =	wrdreg $0xFFFFFFFF;
	(pc) =	sbr.abs _section_cstart, $3  }
0x38: {  	[dreg:$0x1] =	wrdreg $0xFFFFFFFF  }
0x39: {  	_ =	task.clear_ibuf [dreg:s7], $0x2FFFF;
	_ =	strace $0x9FFFFFFF  }
0x3a: {  	(tm) =	ssettm $0x7FFFFFFF  }
0x3b: {  	_ =	shalt  }
tec
execute0_lowered:
.L_overlay_start_1:
0x0: {  	(tag) =	ssettag $0x1  }
0x1: {  	s0 =	srdreg.scid  }
0x2: {  	s1 =	sshll.u32 s0, $0x4  }
0x3: {  	s0 =	stileid.u32;
	s1 =	sand.u32 $0x10, s1  }
0x4: {  	s1 =	sor.u32 s0, s1  }
0x5: {  	s6 =	rddreg [dreg:$0x0];
	s4 =	simm.s32 $0x1;
	s2 =	sshll.u32 s1, $0x7  }
0x6: {  	s7 =	simm.s32 $0x2;
	s12 =	simm.s32 $0x0;
	s1 =	ssub.s32 $0x4000, s2  }
0x7: {  	s8 =	simm.s32 $0x20000;
	s13 =	simm.s32 $0x0;
	s3 =	sand.u32 $0xF80, s1  }
0x8: {  	s9 =	simm.s32 $0x0;
	s5 =	sshrl.u32 s1, $0xC;
	p0 =	sne.s32 s3, $0x0  }
.Ltmp0:
0x9: {  	s1 =	rddreg [dreg:$0x2];
	s4 =	simm.s32 @!p0 $0x0;
	(pc) =	sbr.rel .LBB1_1-.Ltmp0, $4  }
0xa: {  	s11 =	simm.s32 $0x0;
	s3 =	rddreg [dreg:$0x1];
	s5 =	sadd.s32 s4, s5  }
0xb: {  	_ =	strace $0x8000004A;
	s4 =	simm.s32 $0x1;
	s5 =	smul.u32 $0x32, s5  }
0xc: {  	s6 =	sadd.s32 $0xA00, s6;
	s10 =	smov.u32 s2;
	[sflag:s4] =	ssyncpa.u1 $0x0  }
0xd: {  	p0 =	por $0x0, $0x0;
	[sflag:s7] =	ssyncpa.u1 $0x0;
	s7 =	sor.u32 $0x1, s5  }
.LBB1_4:
0xe: {  	s16 =	sshll.u32 s13, $0x3;
	s17 =	sand.u32 $0x78, s13  }
0xf: {  	s30 =	sand.u32 $0x1F800, s13;
	s12 =	sshll.u32 s12, $0x11;
	s16 =	sand.u32 $0x3C00, s16  }
0x10: {  	[tilespmem:s15+$0x810 ss:$0x81] =	vst.msk $0xffff, v2;
	s31 =	sand.u32 $0x7, s13;
	s16 =	sor.u32 s17, s16;
	s17 =	sadd.s32 s3, s30  }
0x11: {  	[tilespmem:s15+$0x1020 ss:$0x81] =	vst.msk $0xffff, v0;
	s13 =	sshll.u32 s31, $0x12;
	s12 =	sadd.s32 s12, s17;
	s16 =	sshrl.u32 s16, $0x3  }
0x12: {  	[tilespmem:s15+$0x0 ss:$0x81] =	vst.msk $0xffff, v1;
	s13 =	sor.u32 $0x400, s13;
	s12 =	sadd.s32 s16, s12  }
0x13: {  	[hbm4b:s12+s13] =	stream.strided.scatter [tilespmem:s14], [sflag:$0x2], $0x2000, s8, s13, $0x20;
	[tilespmem:$0x8080] =	vst v63  }
.LBB1_5:
0x14: {  	s14 =	sadd.s32 $0x1, s9  }
0x15: {  	s12 =	sadd.s32 $0x1000, s10;
	s16 =	smov.u32 s10;
	p2 =	sgt.s32 s14, $0x31  }
0x16: {  	s16 =	smov.u32 @p2 s12  }
0x17: {  	s14 =	simm.s32 @p2 $0x0;
	p2 =	sgt.s32 s16, $0x3FFF  }
0x18: {  	s16 =	smov.u32 @p2 s2;
	p2 =	sne.s32 s11, s7  }
.Ltmp1:
0x19: {  	p1 =	slt.u32 s11, $0x2;
	(pc) =	sbr.rel @!p2 .LBB1_6-.Ltmp1, $4  }
0x1a: {  	s15 =	simm.s32 @!p1 $0x2  }
0x1b: {  	s13 =	smov.u32 s10;
	p0 =	por !p0, !p0;
	_ =	swait.ge @!p1 [sflag:s15], $0x2000  }
0x1c: {  	s12 =	smov.u32 s9;
	[sflag:s15] =	ssyncset.done @!p1 $0x0;
	s9 =	smov.u32 s14  }
0x1d: {  	s11 =	sadd.s32 $0x1, s11;
	[sflag:s15] =	ssyncadd.s32 @!p1 $0xFFFFE000;
	s10 =	smov.u32 s16  }
.LBB1_1:
0x1e: {  	p1 =	sge.u32 s11, s5  }
0x1f: {  	s14 =	sand.u32 @!p1 $0x1FFFFFF, s9  }
0x20: {  	s15 =	smulhi.u32 @!p1 $0x4924925, s14;
	_ =	sdelay $0x1  }
0x21: {  	s15 =	smul.u32 @!p1 $0x38, s15  }
0x22: {  	s16 =	sxor.u32 @!p1 $0xFFFFFFFF, s11;
	s17 =	smul.u32 @!p1 $0x380, s10  }
0x23: {  	s31 =	sadd.s32 $0xFFFFFFFF, s11;
	s16 =	sshll.u32 @!p1 s16, $0xD;
	s14 =	ssub.s32 @!p1 s14, s15  }
0x24: {  	s15 =	sand.u32 @!p1 $0x2000, s16;
	s16 =	sadd.s32 @!p1 s6, s17;
	s14 =	sshll.u32 @!p1 s14, $0x4  }
0x25: {  	s17 =	simm.s32 @!p1 $0x1C00;
	s14 =	sadd.s32 @!p1 s14, s16;
	s16 =	simm.s32 @!p1 $0x40  }
0x26: {  	[tilespmem:s15], [sflag:$0x1] =	stream.strided.gather @!p1 [hbm4b:s14+s16], $0x2000, s17, s16, $0x38;
	[tilespmem:$0x8080] =	vst v63  }
0x27: {  	p1 =	sge.u32 s31, s5  }
.Ltmp2:
0x28: {  	_ = 	snop;
	(pc) =	sbr.rel @p1 .LBB1_5-.Ltmp2, $1  }
0x29: {  	_ =	sdelay $0x3  }
0x2a: {  	s14 =	simm.s32 $0x1  }
0x2b: {  	_ =	swait.ge [sflag:s4], $0x2000;
	s14 =	simm.s32 @!p0 $0x0  }
0x2c: {  	[sflag:s4] =	ssyncset.done $0x0;
	s15 =	sshll.u32 s14, $0xD  }
0x2d: {  	[sflag:s4] =	ssyncadd.s32 $0xFFFFE000;
	s18 =	sor.u32 $0x20, s15  }
0x2e: {  	s14 =	smul.u32 $0x8100, s14;
	v3 =	vld [tilespmem:s18+$0x10]  }
0x2f: {  	s30 =	sand.u32 $0x1, s11;
	v2 =	vld [tilespmem:s18+$0xFFFFFFF0]  }
0x30: {  	s15 =	smul.u32 $0x8100, s30;
	s14 =	sshrl.u32 s14, $0x2;
	v0 =	vld [tilespmem:s18+$0x0]  }
0x31: {  	v1 =	vld [tilespmem:s18+$0xFFFFFFE0];
	s16 =	sor.u32 $0x4000, s14  }
0x32: {  	s31 =	sshrl.u32 s15, $0x2;
	s15 =	sadd.s32 $0x0, s16  }
0x33: {  	s17 =	simm.s32 $0x4;
	s18 =	sadd.s32 $0x40, s18;
	s14 =	sor.u32 $0x4000, s31;
	[tilespmem:s15+$0x1830 ss:$0x81] =	vst.msk $0xffff, v3  }
.LBB1_3:
0x34: {  	v3 =	vld [tilespmem:s18+$0x10];
	p1 =	sne.s32 s17, $0x1FC;
	[tilespmem:s15+$0x810 ss:$0x81] =	vst.msk $0xffff, v2;
	s19 =	smov.u32 s17;
	s17 =	sadd.s32 $0x4, s17  }
.Ltmp3:
0x35: {  	v2 =	vld [tilespmem:s18+$0xFFFFFFF0];
	[tilespmem:s15+$0x1020 ss:$0x81] =	vst.msk $0xffff, v0;
	(pc) =	sbr.rel @p1 .LBB1_3-.Ltmp3, $4  }
0x36: {  	v0 =	vld [tilespmem:s18+$0x0];
	[tilespmem:s15+$0x0 ss:$0x81] =	vst.msk $0xffff, v1  }
0x37: {  	s15 =	sshra.s32 s19, $0x2;
	v1 =	vld [tilespmem:s18+$0xFFFFFFE0]  }
0x38: {  	s15 =	sadd.s32 s15, s16  }
0x39: {  	s18 =	sadd.s32 $0x40, s18;
	[tilespmem:s15+$0x1830 ss:$0x81] =	vst.msk $0xffff, v3  }
.Ltmp4:
0x3a: {  	_ = 	snop;
	(pc) =	sbr.rel .LBB1_4-.Ltmp4, $1  }
0x3b: {  	_ =	sdelay $0x3  }
.LBB1_6:
0x3c: {  	_ =	sfence.sel $0x180000  }
0x3d: {  	s2 =	simm.s32 $0x1;
	[bflag:$0x0] =	sbarrier.arrive $0xFFFF  }
0x3e: {  	s31 =	simm.s32 $0x2;
	[sflag:s2] =	ssyncpa.u1 $0x1  }
0x3f: {  	[sflag:s31] =	ssyncpa.u1 $0x1  }
0x40: {  	p0 =	sne.s32 s0, $0x0;
	_ =	strace $0x9000004A  }
0x41: {  	s0 =	sadd.s32 @!p0 $0x100000, s1;
	[bflag:$0x2] =	sbarrier.arrive $0xFFFF  }
0x42: {  	[sflag:s0] =	ssyncadd.tile.s32 @!p0 $0x1;
	_ =	shalt  }
.Lfunc_end1:
_tile_overlayer_lowered:
.L_overlay_start_2:
0x43: {  	(tag) =	ssettag $0x2  }
0x44: {  	s0 =	rddreg [dreg:$0x0];
	s2 =	stileid.u32  }
0x45: {  	s1 =	rddreg [dreg:$0x1];
	p0 =	sne.s32 s2, $0x0  }
0x46: {  	s3 =	rddreg [dreg:$0x2];
	[bflag:$0x3] =	sbarrier.arrive $0xFFFF;
	s2 =	simm.s32 @!p0 $0x1C01  }
0x47: {  	[timem:s3], [sflag:s2] =	dma.local @!p0 [hbm:s0], s1  }
0x48: {  	s0 =	simm.s32 @!p0 $0x1  }
0x49: {  	_ =	swait.ge @!p0 [sflag:s0], s1  }
0x4a: {  	s1 =	ssub.s32 @!p0 $0x0, s1;
	[sflag:s0] =	ssyncset.done @!p0 $0x0  }
0x4b: {  	[sflag:s0] =	ssyncadd.s32 @!p0 s1  }
0x4c: {  	[bflag:$0x3] =	sbarrier.arrive $0xFFFF  }
0x4d: {  	_ =	shalt  }

</sc_bundles>
